<compile_context>
chip_gen: v7x
topology: tpu7x:2x2x1
jax: 0.10.2.dev20260603
libtpu: 0.0.44.dev20260713+nightly
codegen_flags: <defaults>
</compile_context>

<pallas_src>
import jax
import jax.numpy as jnp
from jax import lax
from jax.experimental import pallas as pl
from jax.experimental.pallas import tpu as pltpu
from jax.experimental.pallas import tpu_sc as plsc

_N = 10000
_E = 320000
_D = 128
_NC = 2
_NS = 16
_EPW = _E // (_NC * _NS)
_K = 80
_NCHUNK = _EPW // _K
_ST = 624
_RB = _NS * _ST
_REM = _N - _RB


def _seg_body(table, gidx, sidx, zfeat, zcnt, part, cnt,
              gidx_v, sidx_v, rows_v, ones_v, acc, cntacc, sem):
  c = lax.axis_index("c")
  s = lax.axis_index("s")
  wid = c * _NS + s

  for i in range(_K // 16):
    ones_v[pl.ds(i * 16, 16)] = jnp.ones((16,), jnp.float32)

  pltpu.sync_copy(zfeat.at[pl.ds(s * _ST, _ST)], acc.at[pl.ds(s * _ST, _ST)])

  @pl.when(s == 0)
  def _():
    pltpu.sync_copy(zfeat.at[pl.ds(_RB, _REM)], acc.at[pl.ds(_RB, _REM)])
    pltpu.sync_copy(zcnt, cntacc)

  plsc.subcore_barrier()

  def step(j, carry):
    base = wid * _EPW + j * _K
    pltpu.sync_copy(gidx.at[pl.ds(base, _K)], gidx_v)
    pltpu.sync_copy(sidx.at[pl.ds(base, _K)], sidx_v)
    pltpu.async_copy(table.at[gidx_v], rows_v, sem).wait()
    pltpu.sync_copy(rows_v, acc.at[sidx_v], add=True)
    pltpu.sync_copy(ones_v, cntacc.at[sidx_v], add=True)
    return carry

  lax.fori_loop(0, _NCHUNK, step, 0)

  plsc.subcore_barrier()
  pltpu.sync_copy(acc.at[pl.ds(s * _ST, _ST)],
                  part.at[c, pl.ds(s * _ST, _ST)])

  @pl.when(s == 0)
  def _():
    pltpu.sync_copy(acc.at[pl.ds(_RB, _REM)], part.at[c, pl.ds(_RB, _REM)])
    pltpu.sync_copy(cntacc, cnt.at[c, 0])


_seg_sum = pl.kernel(
    _seg_body,
    out_type=(jax.ShapeDtypeStruct((_NC, _N, _D), jnp.float32),
              jax.ShapeDtypeStruct((_NC, 1, _N), jnp.float32)),
    mesh=plsc.VectorSubcoreMesh(core_axis_name="c", subcore_axis_name="s"),
    scratch_types=[
        pltpu.VMEM((_K,), jnp.int32),
        pltpu.VMEM((_K,), jnp.int32),
        pltpu.VMEM((_K, _D), jnp.float32),
        pltpu.VMEM((_K,), jnp.float32),
        pltpu.VMEM_SHARED((_N, _D), jnp.float32),
        pltpu.VMEM_SHARED((_N,), jnp.float32),
        pltpu.SemaphoreType.DMA,
    ],
)


def _mm_body(x_ref, w_ref, b_ref, o_ref):
  o_ref[...] = lax.dot_general(
      x_ref[...], w_ref[...], (((1,), (1,)), ((), ())),
      preferred_element_type=jnp.float32) + b_ref[...]


_mm = pl.pallas_call(
    _mm_body,
    out_shape=jax.ShapeDtypeStruct((_N, _D), jnp.float32),
)


def _comb_body(p_ref, c_ref, o_ref):
  ssum = p_ref[0] + p_ref[1]
  csum = jnp.maximum(c_ref[0] + c_ref[1], 1.0)
  o_ref[...] = ssum / csum[:, None]


_combine = pl.pallas_call(
    _comb_body,
    out_shape=jax.ShapeDtypeStruct((_N, _D), jnp.float32),
)


def kernel(x, hyperedge_index, W, b):
  nodes = hyperedge_index[0]
  edges = hyperedge_index[1]
  h = _mm(x, W, b.reshape(1, _D))
  zf = jnp.zeros((_N, _D), jnp.float32)
  zc = jnp.zeros((_N,), jnp.float32)
  part_e, cnt_e = _seg_sum(h, nodes, edges, zf, zc)
  ef = _combine(part_e, cnt_e.reshape(_NC, _N))
  part_n, cnt_n = _seg_sum(ef, edges, nodes, zf, zc)
  return _combine(part_n, cnt_n.reshape(_NC, _N))

# --- scband reference (transcript-rebuilt; emitter-appended) ---
"""Pipeline reference for scband-basic-hypergraph-conv-67010079752614 (READ-ONLY COPY).

The authoritative reference and input builder live on the scoring server;
editing this copy changes nothing except your own understanding.
"""

import jax, jax.numpy as jnp
import numpy as np

N_NODES = 10000
NUM_HYPEREDGES = 10000  # fill_max for hyperedge ids; segment_sum with static num_segments >= edges.max()+1 is mathematically identical
E = 320000
D_IN = 128
D_OUT = 128


def setup_inputs(seed: int = 0) -> dict:
    key = jax.random.key(seed)
    k1, k2, k3 = jax.random.split(key, 3)
    x = jax.random.normal(k1, (N_NODES, D_IN), dtype=jnp.float32)
    hyperedge_index = jax.random.randint(k2, (2, E), 0, NUM_HYPEREDGES, dtype=jnp.int32)
    # nn.Linear params: weight [out, in] xavier_uniform, bias zeros
    a = float(np.sqrt(6.0 / (D_IN + D_OUT)))
    W = jax.random.uniform(k3, (D_OUT, D_IN), minval=-a, maxval=a, dtype=jnp.float32)
    b = jnp.zeros((D_OUT,), dtype=jnp.float32)
    return {"x": x, "hyperedge_index": hyperedge_index, "W": W, "b": b}


def reference(x, hyperedge_index, W, b):
    # x = self.linear(x); dropout(p=0.0) is identity in eval/with p=0
    h = x @ W.T + b
    nodes = hyperedge_index[0]
    edges = hyperedge_index[1]
    num_nodes = h.shape[0]
    # node -> hyperedge aggregation (scatter_add + mean normalization)
    edge_features = jax.ops.segment_sum(h[nodes], edges, num_segments=NUM_HYPEREDGES)
    edge_counts = jax.ops.segment_sum(jnp.ones_like(edges, dtype=jnp.float32), edges, num_segments=NUM_HYPEREDGES)
    edge_features = edge_features / jnp.maximum(edge_counts, 1.0)[:, None]
    # hyperedge -> node aggregation (scatter_add + mean normalization)
    out = jax.ops.segment_sum(edge_features[edges], nodes, num_segments=num_nodes)
    node_counts = jax.ops.segment_sum(jnp.ones_like(nodes, dtype=jnp.float32), nodes, num_segments=num_nodes)
    out = out / jnp.maximum(node_counts, 1.0)[:, None]
    return out

if __name__ == "__main__":
    import jax
    _d = setup_inputs()
    print(jax.jit(kernel)(*tuple(_d.values())))

</pallas_src>

<mosaic_0001>
#map = affine_map<(d0, d1) -> (0, 0)>
#map1 = affine_map<(d0, d1) -> (0)>
#map2 = affine_map<(d0, d1) -> (0, 0, 0)>
module attributes {stable_mosaic.version = 14 : i64} {
  func.func @_seg_body(%arg0: i32, %arg1: i32, %arg2: memref<10000x128xf32, #tpu.memory_space<hbm>>, %arg3: memref<320000xi32, #tpu.memory_space<hbm>>, %arg4: memref<320000xi32, #tpu.memory_space<hbm>>, %arg5: memref<10000x128xf32, #tpu.memory_space<hbm>>, %arg6: memref<10000xf32, #tpu.memory_space<hbm>>, %arg7: memref<2x10000x128xf32, #tpu.memory_space<hbm>>, %arg8: memref<2x1x10000xf32, #tpu.memory_space<hbm>>, %arg9: memref<80xi32, #tpu.memory_space<vmem>>, %arg10: memref<80xi32, #tpu.memory_space<vmem>>, %arg11: memref<80x128xf32, #tpu.memory_space<vmem>>, %arg12: memref<80xf32, #tpu.memory_space<vmem>>, %arg13: memref<10000x128xf32, #tpu.memory_space<vmem_shared>>, %arg14: memref<10000xf32, #tpu.memory_space<vmem_shared>>, %arg15: memref<!tpu.dma_semaphore, #tpu.memory_space<semaphore_mem>>) attributes {dimension_semantics = [#tpu.dimension_semantics<core_parallel>, #tpu.dimension_semantics<subcore_parallel>], iteration_bounds = array<i64: 2, 16>, scalar_prefetch = 0 : i64, scratch_operands = 7 : i64, tpu.core_type = #tpu.core_type<sc_vector_subcore>, window_params = [{transform_indices = #map}, {transform_indices = #map1}, {transform_indices = #map1}, {transform_indices = #map}, {transform_indices = #map1}, {transform_indices = #map2}, {transform_indices = #map2}]} {
    %mul3A = arith.constant 16 : i32
    %mul3A_0 = arith.muli %arg0, %mul3A : i32
    %add3A = arith.addi %mul3A_0, %arg1 : i32
    %broadcast_in_dim3A = arith.constant 1.000000e+00 : f32
    %broadcast_in_dim3A_1 = vector.broadcast %broadcast_in_dim3A : f32 to vector<16xf32>
    %swap3A = arith.constant 0 : index
    %swap3A_2 = tpu.vector_load %arg12[%swap3A] {strides = array<i32>} : memref<80xf32, #tpu.memory_space<vmem>>, vector<16xf32>,
    %swap3A_3 = vector.shape_cast %swap3A_2 : vector<16xf32> to vector<16xf32>
    %swap3A_4 = vector.shape_cast %broadcast_in_dim3A_1 : vector<16xf32> to vector<16xf32>
    tpu.vector_store %arg12[%swap3A], %swap3A_4 {strides = array<i32>} : memref<80xf32, #tpu.memory_space<vmem>>, vector<16xf32>,
    %broadcast_in_dim3A_5 = arith.constant 1.000000e+00 : f32
    %broadcast_in_dim3A_6 = vector.broadcast %broadcast_in_dim3A_5 : f32 to vector<16xf32>
    %swap3A_7 = arith.constant 16 : index
    %swap3A_8 = tpu.vector_load %arg12[%swap3A_7] {strides = array<i32>} : memref<80xf32, #tpu.memory_space<vmem>>, vector<16xf32>,
    %swap3A_9 = vector.shape_cast %swap3A_8 : vector<16xf32> to vector<16xf32>
    %swap3A_10 = vector.shape_cast %broadcast_in_dim3A_6 : vector<16xf32> to vector<16xf32>
    tpu.vector_store %arg12[%swap3A_7], %swap3A_10 {strides = array<i32>} : memref<80xf32, #tpu.memory_space<vmem>>, vector<16xf32>,
    %broadcast_in_dim3A_11 = arith.constant 1.000000e+00 : f32
    %broadcast_in_dim3A_12 = vector.broadcast %broadcast_in_dim3A_11 : f32 to vector<16xf32>
    %swap3A_13 = arith.constant 32 : index
    %swap3A_14 = tpu.vector_load %arg12[%swap3A_13] {strides = array<i32>} : memref<80xf32, #tpu.memory_space<vmem>>, vector<16xf32>,
    %swap3A_15 = vector.shape_cast %swap3A_14 : vector<16xf32> to vector<16xf32>
    %swap3A_16 = vector.shape_cast %broadcast_in_dim3A_12 : vector<16xf32> to vector<16xf32>
    tpu.vector_store %arg12[%swap3A_13], %swap3A_16 {strides = array<i32>} : memref<80xf32, #tpu.memory_space<vmem>>, vector<16xf32>,
    %broadcast_in_dim3A_17 = arith.constant 1.000000e+00 : f32
    %broadcast_in_dim3A_18 = vector.broadcast %broadcast_in_dim3A_17 : f32 to vector<16xf32>
    %swap3A_19 = arith.constant 48 : index
    %swap3A_20 = tpu.vector_load %arg12[%swap3A_19] {strides = array<i32>} : memref<80xf32, #tpu.memory_space<vmem>>, vector<16xf32>,
    %swap3A_21 = vector.shape_cast %swap3A_20 : vector<16xf32> to vector<16xf32>
    %swap3A_22 = vector.shape_cast %broadcast_in_dim3A_18 : vector<16xf32> to vector<16xf32>
    tpu.vector_store %arg12[%swap3A_19], %swap3A_22 {strides = array<i32>} : memref<80xf32, #tpu.memory_space<vmem>>, vector<16xf32>,
    %broadcast_in_dim3A_23 = arith.constant 1.000000e+00 : f32
    %broadcast_in_dim3A_24 = vector.broadcast %broadcast_in_dim3A_23 : f32 to vector<16xf32>
    %swap3A_25 = arith.constant 64 : index
    %swap3A_26 = tpu.vector_load %arg12[%swap3A_25] {strides = array<i32>} : memref<80xf32, #tpu.memory_space<vmem>>, vector<16xf32>,
    %swap3A_27 = vector.shape_cast %swap3A_26 : vector<16xf32> to vector<16xf32>
    %swap3A_28 = vector.shape_cast %broadcast_in_dim3A_24 : vector<16xf32> to vector<16xf32>
    tpu.vector_store %arg12[%swap3A_25], %swap3A_28 {strides = array<i32>} : memref<80xf32, #tpu.memory_space<vmem>>, vector<16xf32>,
    %mul3A_29 = arith.constant 624 : i32
    %mul3A_30 = arith.muli %arg1, %mul3A_29 : i32
    %mul3A_31 = arith.constant 624 : i32
    %mul3A_32 = arith.muli %arg1, %mul3A_31 : i32
    "tpu.region"() ({
      %run_scoped3A = tpu.sem_alloc : memref<!tpu.dma_semaphore, #tpu.memory_space<semaphore_mem>>
      %dma_start3A = arith.constant 0 : i32
      %dma_start3A_50 = tpu.memref_slice %arg13[%mul3A_32, %dma_start3A] : memref<10000x128xf32, #tpu.memory_space<vmem_shared>> -> memref<624x128xf32, #tpu.memory_space<vmem_shared>>
      %dma_start3A_51 = arith.constant 0 : i32
      %dma_start3A_52 = tpu.memref_slice %arg5[%mul3A_30, %dma_start3A_51] : memref<10000x128xf32, #tpu.memory_space<hbm>> -> memref<624x128xf32, #tpu.memory_space<hbm>>
      tpu.enqueue_dma source(%dma_start3A_52 : memref<624x128xf32, #tpu.memory_space<hbm>>) target(%dma_start3A_50 : memref<624x128xf32, #tpu.memory_space<vmem_shared>>) target_semaphore(%run_scoped3A : memref<!tpu.dma_semaphore, #tpu.memory_space<semaphore_mem>>)
      %dma_wait3A = arith.constant 0 : i32
      %dma_wait3A_53 = tpu.memref_slice %arg13[%mul3A_32, %dma_wait3A] : memref<10000x128xf32, #tpu.memory_space<vmem_shared>> -> memref<624x128xf32, #tpu.memory_space<vmem_shared>>
      %dma_wait3A_54 = arith.constant 0 : i32
      %dma_wait3A_55 = tpu.memref_slice %arg5[%mul3A_30, %dma_wait3A_54] : memref<10000x128xf32, #tpu.memory_space<hbm>> -> memref<624x128xf32, #tpu.memory_space<hbm>>
      tpu.wait_dma2 semaphore(%run_scoped3A : memref<!tpu.dma_semaphore, #tpu.memory_space<semaphore_mem>>) src(%dma_wait3A_55 : memref<624x128xf32, #tpu.memory_space<hbm>>) dst(%dma_wait3A_53 : memref<624x128xf32, #tpu.memory_space<vmem_shared>>)
      tpu.yield
    }) : () -> ()
    %eq3A = arith.constant 0 : i32
    %eq3A_33 = arith.cmpi eq, %arg1, %eq3A : i32
    %convert_element_type3A = arith.extui %eq3A_33 : i1 to i32
    %cond3A = arith.constant 0 : i32
    %cond3A_34 = arith.cmpi ne, %convert_element_type3A, %cond3A : i32
    scf.if %cond3A_34 {
      "tpu.region"() ({
        %run_scoped3A = tpu.sem_alloc : memref<!tpu.dma_semaphore, #tpu.memory_space<semaphore_mem>>
        %dma_start3A = arith.constant 9984 : i32
        %dma_start3A_50 = arith.constant 0 : i32
        %dma_start3A_51 = tpu.memref_slice %arg13[%dma_start3A, %dma_start3A_50] : memref<10000x128xf32, #tpu.memory_space<vmem_shared>> -> memref<16x128xf32, #tpu.memory_space<vmem_shared>>
        %dma_start3A_52 = arith.constant 9984 : i32
        %dma_start3A_53 = arith.constant 0 : i32
        %dma_start3A_54 = tpu.memref_slice %arg5[%dma_start3A_52, %dma_start3A_53] : memref<10000x128xf32, #tpu.memory_space<hbm>> -> memref<16x128xf32, #tpu.memory_space<hbm>>
        tpu.enqueue_dma source(%dma_start3A_54 : memref<16x128xf32, #tpu.memory_space<hbm>>) target(%dma_start3A_51 : memref<16x128xf32, #tpu.memory_space<vmem_shared>>) target_semaphore(%run_scoped3A : memref<!tpu.dma_semaphore, #tpu.memory_space<semaphore_mem>>)
        %dma_wait3A = arith.constant 9984 : i32
        %dma_wait3A_55 = arith.constant 0 : i32
        %dma_wait3A_56 = tpu.memref_slice %arg13[%dma_wait3A, %dma_wait3A_55] : memref<10000x128xf32, #tpu.memory_space<vmem_shared>> -> memref<16x128xf32, #tpu.memory_space<vmem_shared>>
        %dma_wait3A_57 = arith.constant 9984 : i32
        %dma_wait3A_58 = arith.constant 0 : i32
        %dma_wait3A_59 = tpu.memref_slice %arg5[%dma_wait3A_57, %dma_wait3A_58] : memref<10000x128xf32, #tpu.memory_space<hbm>> -> memref<16x128xf32, #tpu.memory_space<hbm>>
        tpu.wait_dma2 semaphore(%run_scoped3A : memref<!tpu.dma_semaphore, #tpu.memory_space<semaphore_mem>>) src(%dma_wait3A_59 : memref<16x128xf32, #tpu.memory_space<hbm>>) dst(%dma_wait3A_56 : memref<16x128xf32, #tpu.memory_space<vmem_shared>>)
        tpu.yield
      }) : () -> ()
      "tpu.region"() ({
        %run_scoped3A = tpu.sem_alloc : memref<!tpu.dma_semaphore, #tpu.memory_space<semaphore_mem>>
        tpu.enqueue_dma source(%arg6 : memref<10000xf32, #tpu.memory_space<hbm>>) target(%arg14 : memref<10000xf32, #tpu.memory_space<vmem_shared>>) target_semaphore(%run_scoped3A : memref<!tpu.dma_semaphore, #tpu.memory_space<semaphore_mem>>)
        tpu.wait_dma2 semaphore(%run_scoped3A : memref<!tpu.dma_semaphore, #tpu.memory_space<semaphore_mem>>) src(%arg6 : memref<10000xf32, #tpu.memory_space<hbm>>) dst(%arg14 : memref<10000xf32, #tpu.memory_space<vmem_shared>>)
        tpu.yield
      }) : () -> ()
    } else {
    }
    %barrier3A = arith.constant 0 : index
    tpu.barrier barrier_id(%barrier3A)
    %scan3A = arith.constant 0 : i32
    %scan3A_35 = arith.constant 0 : i32
    %scan3A_36 = arith.constant 125 : i32
    %scan3A_37 = arith.addi %scan3A_35, %scan3A_36 : i32
    %scan3A_38 = arith.constant 1 : i32
    scf.for %scan3A_50 = %scan3A_35 to %scan3A_37 step %scan3A_38  : i32 {
      %mul3A_51 = arith.constant 10000 : i32
      %mul3A_52 = arith.muli %add3A, %mul3A_51 : i32
      %mul3A_53 = arith.constant 80 : i32
      %mul3A_54 = arith.muli %scan3A_50, %mul3A_53 : i32
      %add3A_55 = arith.addi %mul3A_52, %mul3A_54 : i32
      "tpu.region"() ({
        %run_scoped3A = tpu.sem_alloc : memref<!tpu.dma_semaphore, #tpu.memory_space<semaphore_mem>>
        %dma_start3A_60 = tpu.memref_slice %arg3[%add3A_55] : memref<320000xi32, #tpu.memory_space<hbm>> -> memref<80xi32, #tpu.memory_space<hbm>>
        %dma_start3A_61 = tpu.memref_slice %arg3[%add3A_55] : memref<320000xi32, #tpu.memory_space<hbm>> -> memref<80xi32, #tpu.memory_space<hbm>>
        tpu.enqueue_dma source(%dma_start3A_61 : memref<80xi32, #tpu.memory_space<hbm>>) target(%arg9 : memref<80xi32, #tpu.memory_space<vmem>>) target_semaphore(%run_scoped3A : memref<!tpu.dma_semaphore, #tpu.memory_space<semaphore_mem>>)
        %dma_wait3A_62 = tpu.memref_slice %arg3[%add3A_55] : memref<320000xi32, #tpu.memory_space<hbm>> -> memref<80xi32, #tpu.memory_space<hbm>>
        %dma_wait3A_63 = tpu.memref_slice %arg3[%add3A_55] : memref<320000xi32, #tpu.memory_space<hbm>> -> memref<80xi32, #tpu.memory_space<hbm>>
        tpu.wait_dma2 semaphore(%run_scoped3A : memref<!tpu.dma_semaphore, #tpu.memory_space<semaphore_mem>>) src(%dma_wait3A_63 : memref<80xi32, #tpu.memory_space<hbm>>) dst(%arg9 : memref<80xi32, #tpu.memory_space<vmem>>)
        tpu.yield
      }) : () -> ()
      "tpu.region"() ({
        %run_scoped3A = tpu.sem_alloc : memref<!tpu.dma_semaphore, #tpu.memory_space<semaphore_mem>>
        %dma_start3A_60 = tpu.memref_slice %arg4[%add3A_55] : memref<320000xi32, #tpu.memory_space<hbm>> -> memref<80xi32, #tpu.memory_space<hbm>>
        %dma_start3A_61 = tpu.memref_slice %arg4[%add3A_55] : memref<320000xi32, #tpu.memory_space<hbm>> -> memref<80xi32, #tpu.memory_space<hbm>>
        tpu.enqueue_dma source(%dma_start3A_61 : memref<80xi32, #tpu.memory_space<hbm>>) target(%arg10 : memref<80xi32, #tpu.memory_space<vmem>>) target_semaphore(%run_scoped3A : memref<!tpu.dma_semaphore, #tpu.memory_space<semaphore_mem>>)
        %dma_wait3A_62 = tpu.memref_slice %arg4[%add3A_55] : memref<320000xi32, #tpu.memory_space<hbm>> -> memref<80xi32, #tpu.memory_space<hbm>>
        %dma_wait3A_63 = tpu.memref_slice %arg4[%add3A_55] : memref<320000xi32, #tpu.memory_space<hbm>> -> memref<80xi32, #tpu.memory_space<hbm>>
        tpu.wait_dma2 semaphore(%run_scoped3A : memref<!tpu.dma_semaphore, #tpu.memory_space<semaphore_mem>>) src(%dma_wait3A_63 : memref<80xi32, #tpu.memory_space<hbm>>) dst(%arg10 : memref<80xi32, #tpu.memory_space<vmem>>)
        tpu.yield
      }) : () -> ()
      %dma_start3A = arith.constant 0 : i32
      %dma_start3A_56 = arith.constant 0 : i32
      %dma_start3A_57 = tpu.memref_slice %arg2[%dma_start3A, %dma_start3A_56] : memref<10000x128xf32, #tpu.memory_space<hbm>> -> memref<10000x128xf32, #tpu.memory_space<hbm>>
      tpu.enqueue_indirect_dma source(%dma_start3A_57 : memref<10000x128xf32, #tpu.memory_space<hbm>>) target(%arg11 : memref<80x128xf32, #tpu.memory_space<vmem>>) offsets(%arg9 : memref<80xi32, #tpu.memory_space<vmem>>) semaphore(%arg15 : memref<!tpu.dma_semaphore, #tpu.memory_space<semaphore_mem>>)
      %dma_wait3A = arith.constant 0 : i32
      %dma_wait3A_58 = arith.constant 0 : i32
      %dma_wait3A_59 = tpu.memref_slice %arg2[%dma_wait3A, %dma_wait3A_58] : memref<10000x128xf32, #tpu.memory_space<hbm>> -> memref<10000x128xf32, #tpu.memory_space<hbm>>
      tpu.wait_indirect_dma semaphore(%arg15 : memref<!tpu.dma_semaphore, #tpu.memory_space<semaphore_mem>>) src(%dma_wait3A_59 : memref<10000x128xf32, #tpu.memory_space<hbm>>) dst(%arg11 : memref<80x128xf32, #tpu.memory_space<vmem>>)
      "tpu.region"() ({
        %run_scoped3A = tpu.sem_alloc : memref<!tpu.dma_semaphore, #tpu.memory_space<semaphore_mem>>
        %dma_start3A_60 = arith.constant 0 : i32
        %dma_start3A_61 = arith.constant 0 : i32
        %dma_start3A_62 = tpu.memref_slice %arg13[%dma_start3A_60, %dma_start3A_61] : memref<10000x128xf32, #tpu.memory_space<vmem_shared>> -> memref<10000x128xf32, #tpu.memory_space<vmem_shared>>
        tpu.enqueue_indirect_dma source(%arg11 : memref<80x128xf32, #tpu.memory_space<vmem>>) target(%dma_start3A_62 : memref<10000x128xf32, #tpu.memory_space<vmem_shared>>) offsets(%arg10 : memref<80xi32, #tpu.memory_space<vmem>>) semaphore(%run_scoped3A : memref<!tpu.dma_semaphore, #tpu.memory_space<semaphore_mem>>) {add = true}
        %dma_wait3A_63 = arith.constant 0 : i32
        %dma_wait3A_64 = arith.constant 0 : i32
        %dma_wait3A_65 = tpu.memref_slice %arg13[%dma_wait3A_63, %dma_wait3A_64] : memref<10000x128xf32, #tpu.memory_space<vmem_shared>> -> memref<10000x128xf32, #tpu.memory_space<vmem_shared>>
        tpu.wait_indirect_dma semaphore(%run_scoped3A : memref<!tpu.dma_semaphore, #tpu.memory_space<semaphore_mem>>) src(%arg11 : memref<80x128xf32, #tpu.memory_space<vmem>>) dst(%dma_wait3A_65 : memref<10000x128xf32, #tpu.memory_space<vmem_shared>>)
        tpu.yield
      }) : () -> ()
      "tpu.region"() ({
        %run_scoped3A = tpu.sem_alloc : memref<!tpu.dma_semaphore, #tpu.memory_space<semaphore_mem>>
        %dma_start3A_60 = arith.constant 0 : i32
        %dma_start3A_61 = tpu.memref_slice %arg14[%dma_start3A_60] : memref<10000xf32, #tpu.memory_space<vmem_shared>> -> memref<10000xf32, #tpu.memory_space<vmem_shared>>
        tpu.enqueue_indirect_dma source(%arg12 : memref<80xf32, #tpu.memory_space<vmem>>) target(%dma_start3A_61 : memref<10000xf32, #tpu.memory_space<vmem_shared>>) offsets(%arg10 : memref<80xi32, #tpu.memory_space<vmem>>) semaphore(%run_scoped3A : memref<!tpu.dma_semaphore, #tpu.memory_space<semaphore_mem>>) {add = true}
        %dma_wait3A_62 = arith.constant 0 : i32
        %dma_wait3A_63 = tpu.memref_slice %arg14[%dma_wait3A_62] : memref<10000xf32, #tpu.memory_space<vmem_shared>> -> memref<10000xf32, #tpu.memory_space<vmem_shared>>
        tpu.wait_indirect_dma semaphore(%run_scoped3A : memref<!tpu.dma_semaphore, #tpu.memory_space<semaphore_mem>>) src(%arg12 : memref<80xf32, #tpu.memory_space<vmem>>) dst(%dma_wait3A_63 : memref<10000xf32, #tpu.memory_space<vmem_shared>>)
        tpu.yield
      }) : () -> ()
    }
    %scan3A_39 = arith.constant 125 : i32
    %barrier3A_40 = arith.constant 0 : index
    tpu.barrier barrier_id(%barrier3A_40)
    %mul3A_41 = arith.constant 624 : i32
    %mul3A_42 = arith.muli %arg1, %mul3A_41 : i32
    %mul3A_43 = arith.constant 624 : i32
    %mul3A_44 = arith.muli %arg1, %mul3A_43 : i32
    "tpu.region"() ({
      %run_scoped3A = tpu.sem_alloc : memref<!tpu.dma_semaphore, #tpu.memory_space<semaphore_mem>>
      %dma_start3A = arith.constant 0 : i32
      %dma_start3A_50 = tpu.memref_slice %arg7[%arg0, %mul3A_44, %dma_start3A] : memref<2x10000x128xf32, #tpu.memory_space<hbm>> -> memref<1x624x128xf32, #tpu.memory_space<hbm>>
      %dma_start3A_51 = tpu.memref_squeeze %dma_start3A_50 : memref<1x624x128xf32, #tpu.memory_space<hbm>> -> memref<624x128xf32, #tpu.memory_space<hbm>>
      %dma_start3A_52 = arith.constant 0 : i32
      %dma_start3A_53 = tpu.memref_slice %arg13[%mul3A_42, %dma_start3A_52] : memref<10000x128xf32, #tpu.memory_space<vmem_shared>> -> memref<624x128xf32, #tpu.memory_space<vmem_shared>>
      tpu.enqueue_dma source(%dma_start3A_53 : memref<624x128xf32, #tpu.memory_space<vmem_shared>>) target(%dma_start3A_51 : memref<624x128xf32, #tpu.memory_space<hbm>>) target_semaphore(%run_scoped3A : memref<!tpu.dma_semaphore, #tpu.memory_space<semaphore_mem>>)
      %dma_wait3A = arith.constant 0 : i32
      %dma_wait3A_54 = tpu.memref_slice %arg7[%arg0, %mul3A_44, %dma_wait3A] : memref<2x10000x128xf32, #tpu.memory_space<hbm>> -> memref<1x624x128xf32, #tpu.memory_space<hbm>>
      %dma_wait3A_55 = tpu.memref_squeeze %dma_wait3A_54 : memref<1x624x128xf32, #tpu.memory_space<hbm>> -> memref<624x128xf32, #tpu.memory_space<hbm>>
      %dma_wait3A_56 = arith.constant 0 : i32
      %dma_wait3A_57 = tpu.memref_slice %arg13[%mul3A_42, %dma_wait3A_56] : memref<10000x128xf32, #tpu.memory_space<vmem_shared>> -> memref<624x128xf32, #tpu.memory_space<vmem_shared>>
      tpu.wait_dma2 semaphore(%run_scoped3A : memref<!tpu.dma_semaphore, #tpu.memory_space<semaphore_mem>>) src(%dma_wait3A_57 : memref<624x128xf32, #tpu.memory_space<vmem_shared>>) dst(%dma_wait3A_55 : memref<624x128xf32, #tpu.memory_space<hbm>>)
      tpu.yield
    }) : () -> ()
    %eq3A_45 = arith.constant 0 : i32
    %eq3A_46 = arith.cmpi eq, %arg1, %eq3A_45 : i32
    %convert_element_type3A_47 = arith.extui %eq3A_46 : i1 to i32
    %cond3A_48 = arith.constant 0 : i32
    %cond3A_49 = arith.cmpi ne, %convert_element_type3A_47, %cond3A_48 : i32
    scf.if %cond3A_49 {
      "tpu.region"() ({
        %run_scoped3A_50 = tpu.sem_alloc : memref<!tpu.dma_semaphore, #tpu.memory_space<semaphore_mem>>
        %dma_start3A = arith.constant 9984 : i32
        %dma_start3A_51 = arith.constant 0 : i32
        %dma_start3A_52 = tpu.memref_slice %arg7[%arg0, %dma_start3A, %dma_start3A_51] : memref<2x10000x128xf32, #tpu.memory_space<hbm>> -> memref<1x16x128xf32, #tpu.memory_space<hbm>>
        %dma_start3A_53 = tpu.memref_squeeze %dma_start3A_52 : memref<1x16x128xf32, #tpu.memory_space<hbm>> -> memref<16x128xf32, #tpu.memory_space<hbm>>
        %dma_start3A_54 = arith.constant 9984 : i32
        %dma_start3A_55 = arith.constant 0 : i32
        %dma_start3A_56 = tpu.memref_slice %arg13[%dma_start3A_54, %dma_start3A_55] : memref<10000x128xf32, #tpu.memory_space<vmem_shared>> -> memref<16x128xf32, #tpu.memory_space<vmem_shared>>
        tpu.enqueue_dma source(%dma_start3A_56 : memref<16x128xf32, #tpu.memory_space<vmem_shared>>) target(%dma_start3A_53 : memref<16x128xf32, #tpu.memory_space<hbm>>) target_semaphore(%run_scoped3A_50 : memref<!tpu.dma_semaphore, #tpu.memory_space<semaphore_mem>>)
        %dma_wait3A = arith.constant 9984 : i32
        %dma_wait3A_57 = arith.constant 0 : i32
        %dma_wait3A_58 = tpu.memref_slice %arg7[%arg0, %dma_wait3A, %dma_wait3A_57] : memref<2x10000x128xf32, #tpu.memory_space<hbm>> -> memref<1x16x128xf32, #tpu.memory_space<hbm>>
        %dma_wait3A_59 = tpu.memref_squeeze %dma_wait3A_58 : memref<1x16x128xf32, #tpu.memory_space<hbm>> -> memref<16x128xf32, #tpu.memory_space<hbm>>
        %dma_wait3A_60 = arith.constant 9984 : i32
        %dma_wait3A_61 = arith.constant 0 : i32
        %dma_wait3A_62 = tpu.memref_slice %arg13[%dma_wait3A_60, %dma_wait3A_61] : memref<10000x128xf32, #tpu.memory_space<vmem_shared>> -> memref<16x128xf32, #tpu.memory_space<vmem_shared>>
        tpu.wait_dma2 semaphore(%run_scoped3A_50 : memref<!tpu.dma_semaphore, #tpu.memory_space<semaphore_mem>>) src(%dma_wait3A_62 : memref<16x128xf32, #tpu.memory_space<vmem_shared>>) dst(%dma_wait3A_59 : memref<16x128xf32, #tpu.memory_space<hbm>>)
        tpu.yield
      }) : () -> ()
      %run_scoped3A = arith.constant 0 : i32
      "tpu.region"() ({
        %run_scoped3A_50 = tpu.sem_alloc : memref<!tpu.dma_semaphore, #tpu.memory_space<semaphore_mem>>
        %dma_start3A = arith.constant 0 : i32
        %dma_start3A_51 = tpu.memref_slice %arg8[%arg0, %run_scoped3A, %dma_start3A] : memref<2x1x10000xf32, #tpu.memory_space<hbm>> -> memref<1x1x10000xf32, #tpu.memory_space<hbm>>
        %dma_start3A_52 = tpu.memref_squeeze %dma_start3A_51 : memref<1x1x10000xf32, #tpu.memory_space<hbm>> -> memref<10000xf32, #tpu.memory_space<hbm>>
        tpu.enqueue_dma source(%arg14 : memref<10000xf32, #tpu.memory_space<vmem_shared>>) target(%dma_start3A_52 : memref<10000xf32, #tpu.memory_space<hbm>>) target_semaphore(%run_scoped3A_50 : memref<!tpu.dma_semaphore, #tpu.memory_space<semaphore_mem>>)
        %dma_wait3A = arith.constant 0 : i32
        %dma_wait3A_53 = tpu.memref_slice %arg8[%arg0, %run_scoped3A, %dma_wait3A] : memref<2x1x10000xf32, #tpu.memory_space<hbm>> -> memref<1x1x10000xf32, #tpu.memory_space<hbm>>
        %dma_wait3A_54 = tpu.memref_squeeze %dma_wait3A_53 : memref<1x1x10000xf32, #tpu.memory_space<hbm>> -> memref<10000xf32, #tpu.memory_space<hbm>>
        tpu.wait_dma2 semaphore(%run_scoped3A_50 : memref<!tpu.dma_semaphore, #tpu.memory_space<semaphore_mem>>) src(%arg14 : memref<10000xf32, #tpu.memory_space<vmem_shared>>) dst(%dma_wait3A_54 : memref<10000xf32, #tpu.memory_space<hbm>>)
        tpu.yield
      }) : () -> ()
    } else {
    }
    return
  }
}

#map = affine_map<(d0, d1) -> (0, 0)>
#map1 = affine_map<(d0, d1) -> (0)>
#map2 = affine_map<(d0, d1) -> (0, 0, 0)>
module attributes {stable_mosaic.version = 14 : i64} {
  func.func @_seg_body(%arg0: i32, %arg1: i32, %arg2: memref<10000x128xf32, #tpu.memory_space<hbm>>, %arg3: memref<320000xi32, #tpu.memory_space<hbm>>, %arg4: memref<320000xi32, #tpu.memory_space<hbm>>, %arg5: memref<10000x128xf32, #tpu.memory_space<hbm>>, %arg6: memref<10000xf32, #tpu.memory_space<hbm>>, %arg7: memref<2x10000x128xf32, #tpu.memory_space<hbm>>, %arg8: memref<2x1x10000xf32, #tpu.memory_space<hbm>>, %arg9: memref<80xi32, #tpu.memory_space<vmem>>, %arg10: memref<80xi32, #tpu.memory_space<vmem>>, %arg11: memref<80x128xf32, #tpu.memory_space<vmem>>, %arg12: memref<80xf32, #tpu.memory_space<vmem>>, %arg13: memref<10000x128xf32, #tpu.memory_space<vmem_shared>>, %arg14: memref<10000xf32, #tpu.memory_space<vmem_shared>>, %arg15: memref<!tpu.dma_semaphore, #tpu.memory_space<semaphore_mem>>) attributes {dimension_semantics = [#tpu.dimension_semantics<core_parallel>, #tpu.dimension_semantics<subcore_parallel>], iteration_bounds = array<i64: 2, 16>, scalar_prefetch = 0 : i64, scratch_operands = 7 : i64, tpu.core_type = #tpu.core_type<sc_vector_subcore>, window_params = [{transform_indices = #map}, {transform_indices = #map1}, {transform_indices = #map1}, {transform_indices = #map}, {transform_indices = #map1}, {transform_indices = #map2}, {transform_indices = #map2}]} {
    %mul3A = arith.constant 16 : i32
    %mul3A_0 = arith.muli %arg0, %mul3A : i32
    %add3A = arith.addi %mul3A_0, %arg1 : i32
    %broadcast_in_dim3A = arith.constant 1.000000e+00 : f32
    %broadcast_in_dim3A_1 = vector.broadcast %broadcast_in_dim3A : f32 to vector<16xf32>
    %swap3A = arith.constant 0 : index
    %swap3A_2 = tpu.vector_load %arg12[%swap3A] {strides = array<i32>} : memref<80xf32, #tpu.memory_space<vmem>>, vector<16xf32>,
    %swap3A_3 = vector.shape_cast %swap3A_2 : vector<16xf32> to vector<16xf32>
    %swap3A_4 = vector.shape_cast %broadcast_in_dim3A_1 : vector<16xf32> to vector<16xf32>
    tpu.vector_store %arg12[%swap3A], %swap3A_4 {strides = array<i32>} : memref<80xf32, #tpu.memory_space<vmem>>, vector<16xf32>,
    %broadcast_in_dim3A_5 = arith.constant 1.000000e+00 : f32
    %broadcast_in_dim3A_6 = vector.broadcast %broadcast_in_dim3A_5 : f32 to vector<16xf32>
    %swap3A_7 = arith.constant 16 : index
    %swap3A_8 = tpu.vector_load %arg12[%swap3A_7] {strides = array<i32>} : memref<80xf32, #tpu.memory_space<vmem>>, vector<16xf32>,
    %swap3A_9 = vector.shape_cast %swap3A_8 : vector<16xf32> to vector<16xf32>
    %swap3A_10 = vector.shape_cast %broadcast_in_dim3A_6 : vector<16xf32> to vector<16xf32>
    tpu.vector_store %arg12[%swap3A_7], %swap3A_10 {strides = array<i32>} : memref<80xf32, #tpu.memory_space<vmem>>, vector<16xf32>,
    %broadcast_in_dim3A_11 = arith.constant 1.000000e+00 : f32
    %broadcast_in_dim3A_12 = vector.broadcast %broadcast_in_dim3A_11 : f32 to vector<16xf32>
    %swap3A_13 = arith.constant 32 : index
    %swap3A_14 = tpu.vector_load %arg12[%swap3A_13] {strides = array<i32>} : memref<80xf32, #tpu.memory_space<vmem>>, vector<16xf32>,
    %swap3A_15 = vector.shape_cast %swap3A_14 : vector<16xf32> to vector<16xf32>
    %swap3A_16 = vector.shape_cast %broadcast_in_dim3A_12 : vector<16xf32> to vector<16xf32>
    tpu.vector_store %arg12[%swap3A_13], %swap3A_16 {strides = array<i32>} : memref<80xf32, #tpu.memory_space<vmem>>, vector<16xf32>,
    %broadcast_in_dim3A_17 = arith.constant 1.000000e+00 : f32
    %broadcast_in_dim3A_18 = vector.broadcast %broadcast_in_dim3A_17 : f32 to vector<16xf32>
    %swap3A_19 = arith.constant 48 : index
    %swap3A_20 = tpu.vector_load %arg12[%swap3A_19] {strides = array<i32>} : memref<80xf32, #tpu.memory_space<vmem>>, vector<16xf32>,
    %swap3A_21 = vector.shape_cast %swap3A_20 : vector<16xf32> to vector<16xf32>
    %swap3A_22 = vector.shape_cast %broadcast_in_dim3A_18 : vector<16xf32> to vector<16xf32>
    tpu.vector_store %arg12[%swap3A_19], %swap3A_22 {strides = array<i32>} : memref<80xf32, #tpu.memory_space<vmem>>, vector<16xf32>,
    %broadcast_in_dim3A_23 = arith.constant 1.000000e+00 : f32
    %broadcast_in_dim3A_24 = vector.broadcast %broadcast_in_dim3A_23 : f32 to vector<16xf32>
    %swap3A_25 = arith.constant 64 : index
    %swap3A_26 = tpu.vector_load %arg12[%swap3A_25] {strides = array<i32>} : memref<80xf32, #tpu.memory_space<vmem>>, vector<16xf32>,
    %swap3A_27 = vector.shape_cast %swap3A_26 : vector<16xf32> to vector<16xf32>
    %swap3A_28 = vector.shape_cast %broadcast_in_dim3A_24 : vector<16xf32> to vector<16xf32>
    tpu.vector_store %arg12[%swap3A_25], %swap3A_28 {strides = array<i32>} : memref<80xf32, #tpu.memory_space<vmem>>, vector<16xf32>,
    %mul3A_29 = arith.constant 624 : i32
    %mul3A_30 = arith.muli %arg1, %mul3A_29 : i32
    %mul3A_31 = arith.constant 624 : i32
    %mul3A_32 = arith.muli %arg1, %mul3A_31 : i32
    "tpu.region"() ({
      %run_scoped3A = tpu.sem_alloc : memref<!tpu.dma_semaphore, #tpu.memory_space<semaphore_mem>>
      %dma_start3A = arith.constant 0 : i32
      %dma_start3A_50 = tpu.memref_slice %arg13[%mul3A_32, %dma_start3A] : memref<10000x128xf32, #tpu.memory_space<vmem_shared>> -> memref<624x128xf32, #tpu.memory_space<vmem_shared>>
      %dma_start3A_51 = arith.constant 0 : i32
      %dma_start3A_52 = tpu.memref_slice %arg5[%mul3A_30, %dma_start3A_51] : memref<10000x128xf32, #tpu.memory_space<hbm>> -> memref<624x128xf32, #tpu.memory_space<hbm>>
      tpu.enqueue_dma source(%dma_start3A_52 : memref<624x128xf32, #tpu.memory_space<hbm>>) target(%dma_start3A_50 : memref<624x128xf32, #tpu.memory_space<vmem_shared>>) target_semaphore(%run_scoped3A : memref<!tpu.dma_semaphore, #tpu.memory_space<semaphore_mem>>)
      %dma_wait3A = arith.constant 0 : i32
      %dma_wait3A_53 = tpu.memref_slice %arg13[%mul3A_32, %dma_wait3A] : memref<10000x128xf32, #tpu.memory_space<vmem_shared>> -> memref<624x128xf32, #tpu.memory_space<vmem_shared>>
      %dma_wait3A_54 = arith.constant 0 : i32
      %dma_wait3A_55 = tpu.memref_slice %arg5[%mul3A_30, %dma_wait3A_54] : memref<10000x128xf32, #tpu.memory_space<hbm>> -> memref<624x128xf32, #tpu.memory_space<hbm>>
      tpu.wait_dma2 semaphore(%run_scoped3A : memref<!tpu.dma_semaphore, #tpu.memory_space<semaphore_mem>>) src(%dma_wait3A_55 : memref<624x128xf32, #tpu.memory_space<hbm>>) dst(%dma_wait3A_53 : memref<624x128xf32, #tpu.memory_space<vmem_shared>>)
      tpu.yield
    }) : () -> ()
    %eq3A = arith.constant 0 : i32
    %eq3A_33 = arith.cmpi eq, %arg1, %eq3A : i32
    %convert_element_type3A = arith.extui %eq3A_33 : i1 to i32
    %cond3A = arith.constant 0 : i32
    %cond3A_34 = arith.cmpi ne, %convert_element_type3A, %cond3A : i32
    scf.if %cond3A_34 {
      "tpu.region"() ({
        %run_scoped3A = tpu.sem_alloc : memref<!tpu.dma_semaphore, #tpu.memory_space<semaphore_mem>>
        %dma_start3A = arith.constant 9984 : i32
        %dma_start3A_50 = arith.constant 0 : i32
        %dma_start3A_51 = tpu.memref_slice %arg13[%dma_start3A, %dma_start3A_50] : memref<10000x128xf32, #tpu.memory_space<vmem_shared>> -> memref<16x128xf32, #tpu.memory_space<vmem_shared>>
        %dma_start3A_52 = arith.constant 9984 : i32
        %dma_start3A_53 = arith.constant 0 : i32
        %dma_start3A_54 = tpu.memref_slice %arg5[%dma_start3A_52, %dma_start3A_53] : memref<10000x128xf32, #tpu.memory_space<hbm>> -> memref<16x128xf32, #tpu.memory_space<hbm>>
        tpu.enqueue_dma source(%dma_start3A_54 : memref<16x128xf32, #tpu.memory_space<hbm>>) target(%dma_start3A_51 : memref<16x128xf32, #tpu.memory_space<vmem_shared>>) target_semaphore(%run_scoped3A : memref<!tpu.dma_semaphore, #tpu.memory_space<semaphore_mem>>)
        %dma_wait3A = arith.constant 9984 : i32
        %dma_wait3A_55 = arith.constant 0 : i32
        %dma_wait3A_56 = tpu.memref_slice %arg13[%dma_wait3A, %dma_wait3A_55] : memref<10000x128xf32, #tpu.memory_space<vmem_shared>> -> memref<16x128xf32, #tpu.memory_space<vmem_shared>>
        %dma_wait3A_57 = arith.constant 9984 : i32
        %dma_wait3A_58 = arith.constant 0 : i32
        %dma_wait3A_59 = tpu.memref_slice %arg5[%dma_wait3A_57, %dma_wait3A_58] : memref<10000x128xf32, #tpu.memory_space<hbm>> -> memref<16x128xf32, #tpu.memory_space<hbm>>
        tpu.wait_dma2 semaphore(%run_scoped3A : memref<!tpu.dma_semaphore, #tpu.memory_space<semaphore_mem>>) src(%dma_wait3A_59 : memref<16x128xf32, #tpu.memory_space<hbm>>) dst(%dma_wait3A_56 : memref<16x128xf32, #tpu.memory_space<vmem_shared>>)
        tpu.yield
      }) : () -> ()
      "tpu.region"() ({
        %run_scoped3A = tpu.sem_alloc : memref<!tpu.dma_semaphore, #tpu.memory_space<semaphore_mem>>
        tpu.enqueue_dma source(%arg6 : memref<10000xf32, #tpu.memory_space<hbm>>) target(%arg14 : memref<10000xf32, #tpu.memory_space<vmem_shared>>) target_semaphore(%run_scoped3A : memref<!tpu.dma_semaphore, #tpu.memory_space<semaphore_mem>>)
        tpu.wait_dma2 semaphore(%run_scoped3A : memref<!tpu.dma_semaphore, #tpu.memory_space<semaphore_mem>>) src(%arg6 : memref<10000xf32, #tpu.memory_space<hbm>>) dst(%arg14 : memref<10000xf32, #tpu.memory_space<vmem_shared>>)
        tpu.yield
      }) : () -> ()
    } else {
    }
    %barrier3A = arith.constant 0 : index
    tpu.barrier barrier_id(%barrier3A)
    %scan3A = arith.constant 0 : i32
    %scan3A_35 = arith.constant 0 : i32
    %scan3A_36 = arith.constant 125 : i32
    %scan3A_37 = arith.addi %scan3A_35, %scan3A_36 : i32
    %scan3A_38 = arith.constant 1 : i32
    scf.for %scan3A_50 = %scan3A_35 to %scan3A_37 step %scan3A_38  : i32 {
      %mul3A_51 = arith.constant 10000 : i32
      %mul3A_52 = arith.muli %add3A, %mul3A_51 : i32
      %mul3A_53 = arith.constant 80 : i32
      %mul3A_54 = arith.muli %scan3A_50, %mul3A_53 : i32
      %add3A_55 = arith.addi %mul3A_52, %mul3A_54 : i32
      "tpu.region"() ({
        %run_scoped3A = tpu.sem_alloc : memref<!tpu.dma_semaphore, #tpu.memory_space<semaphore_mem>>
        %dma_start3A_60 = tpu.memref_slice %arg3[%add3A_55] : memref<320000xi32, #tpu.memory_space<hbm>> -> memref<80xi32, #tpu.memory_space<hbm>>
        %dma_start3A_61 = tpu.memref_slice %arg3[%add3A_55] : memref<320000xi32, #tpu.memory_space<hbm>> -> memref<80xi32, #tpu.memory_space<hbm>>
        tpu.enqueue_dma source(%dma_start3A_61 : memref<80xi32, #tpu.memory_space<hbm>>) target(%arg9 : memref<80xi32, #tpu.memory_space<vmem>>) target_semaphore(%run_scoped3A : memref<!tpu.dma_semaphore, #tpu.memory_space<semaphore_mem>>)
        %dma_wait3A_62 = tpu.memref_slice %arg3[%add3A_55] : memref<320000xi32, #tpu.memory_space<hbm>> -> memref<80xi32, #tpu.memory_space<hbm>>
        %dma_wait3A_63 = tpu.memref_slice %arg3[%add3A_55] : memref<320000xi32, #tpu.memory_space<hbm>> -> memref<80xi32, #tpu.memory_space<hbm>>
        tpu.wait_dma2 semaphore(%run_scoped3A : memref<!tpu.dma_semaphore, #tpu.memory_space<semaphore_mem>>) src(%dma_wait3A_63 : memref<80xi32, #tpu.memory_space<hbm>>) dst(%arg9 : memref<80xi32, #tpu.memory_space<vmem>>)
        tpu.yield
      }) : () -> ()
      "tpu.region"() ({
        %run_scoped3A = tpu.sem_alloc : memref<!tpu.dma_semaphore, #tpu.memory_space<semaphore_mem>>
        %dma_start3A_60 = tpu.memref_slice %arg4[%add3A_55] : memref<320000xi32, #tpu.memory_space<hbm>> -> memref<80xi32, #tpu.memory_space<hbm>>
        %dma_start3A_61 = tpu.memref_slice %arg4[%add3A_55] : memref<320000xi32, #tpu.memory_space<hbm>> -> memref<80xi32, #tpu.memory_space<hbm>>
        tpu.enqueue_dma source(%dma_start3A_61 : memref<80xi32, #tpu.memory_space<hbm>>) target(%arg10 : memref<80xi32, #tpu.memory_space<vmem>>) target_semaphore(%run_scoped3A : memref<!tpu.dma_semaphore, #tpu.memory_space<semaphore_mem>>)
        %dma_wait3A_62 = tpu.memref_slice %arg4[%add3A_55] : memref<320000xi32, #tpu.memory_space<hbm>> -> memref<80xi32, #tpu.memory_space<hbm>>
        %dma_wait3A_63 = tpu.memref_slice %arg4[%add3A_55] : memref<320000xi32, #tpu.memory_space<hbm>> -> memref<80xi32, #tpu.memory_space<hbm>>
        tpu.wait_dma2 semaphore(%run_scoped3A : memref<!tpu.dma_semaphore, #tpu.memory_space<semaphore_mem>>) src(%dma_wait3A_63 : memref<80xi32, #tpu.memory_space<hbm>>) dst(%arg10 : memref<80xi32, #tpu.memory_space<vmem>>)
        tpu.yield
      }) : () -> ()
      %dma_start3A = arith.constant 0 : i32
      %dma_start3A_56 = arith.constant 0 : i32
      %dma_start3A_57 = tpu.memref_slice %arg2[%dma_start3A, %dma_start3A_56] : memref<10000x128xf32, #tpu.memory_space<hbm>> -> memref<10000x128xf32, #tpu.memory_space<hbm>>
      tpu.enqueue_indirect_dma source(%dma_start3A_57 : memref<10000x128xf32, #tpu.memory_space<hbm>>) target(%arg11 : memref<80x128xf32, #tpu.memory_space<vmem>>) offsets(%arg9 : memref<80xi32, #tpu.memory_space<vmem>>) semaphore(%arg15 : memref<!tpu.dma_semaphore, #tpu.memory_space<semaphore_mem>>)
      %dma_wait3A = arith.constant 0 : i32
      %dma_wait3A_58 = arith.constant 0 : i32
      %dma_wait3A_59 = tpu.memref_slice %arg2[%dma_wait3A, %dma_wait3A_58] : memref<10000x128xf32, #tpu.memory_space<hbm>> -> memref<10000x128xf32, #tpu.memory_space<hbm>>
      tpu.wait_indirect_dma semaphore(%arg15 : memref<!tpu.dma_semaphore, #tpu.memory_space<semaphore_mem>>) src(%dma_wait3A_59 : memref<10000x128xf32, #tpu.memory_space<hbm>>) dst(%arg11 : memref<80x128xf32, #tpu.memory_space<vmem>>)
      "tpu.region"() ({
        %run_scoped3A = tpu.sem_alloc : memref<!tpu.dma_semaphore, #tpu.memory_space<semaphore_mem>>
        %dma_start3A_60 = arith.constant 0 : i32
        %dma_start3A_61 = arith.constant 0 : i32
        %dma_start3A_62 = tpu.memref_slice %arg13[%dma_start3A_60, %dma_start3A_61] : memref<10000x128xf32, #tpu.memory_space<vmem_shared>> -> memref<10000x128xf32, #tpu.memory_space<vmem_shared>>
        tpu.enqueue_indirect_dma source(%arg11 : memref<80x128xf32, #tpu.memory_space<vmem>>) target(%dma_start3A_62 : memref<10000x128xf32, #tpu.memory_space<vmem_shared>>) offsets(%arg10 : memref<80xi32, #tpu.memory_space<vmem>>) semaphore(%run_scoped3A : memref<!tpu.dma_semaphore, #tpu.memory_space<semaphore_mem>>) {add = true}
        %dma_wait3A_63 = arith.constant 0 : i32
        %dma_wait3A_64 = arith.constant 0 : i32
        %dma_wait3A_65 = tpu.memref_slice %arg13[%dma_wait3A_63, %dma_wait3A_64] : memref<10000x128xf32, #tpu.memory_space<vmem_shared>> -> memref<10000x128xf32, #tpu.memory_space<vmem_shared>>
        tpu.wait_indirect_dma semaphore(%run_scoped3A : memref<!tpu.dma_semaphore, #tpu.memory_space<semaphore_mem>>) src(%arg11 : memref<80x128xf32, #tpu.memory_space<vmem>>) dst(%dma_wait3A_65 : memref<10000x128xf32, #tpu.memory_space<vmem_shared>>)
        tpu.yield
      }) : () -> ()
      "tpu.region"() ({
        %run_scoped3A = tpu.sem_alloc : memref<!tpu.dma_semaphore, #tpu.memory_space<semaphore_mem>>
        %dma_start3A_60 = arith.constant 0 : i32
        %dma_start3A_61 = tpu.memref_slice %arg14[%dma_start3A_60] : memref<10000xf32, #tpu.memory_space<vmem_shared>> -> memref<10000xf32, #tpu.memory_space<vmem_shared>>
        tpu.enqueue_indirect_dma source(%arg12 : memref<80xf32, #tpu.memory_space<vmem>>) target(%dma_start3A_61 : memref<10000xf32, #tpu.memory_space<vmem_shared>>) offsets(%arg10 : memref<80xi32, #tpu.memory_space<vmem>>) semaphore(%run_scoped3A : memref<!tpu.dma_semaphore, #tpu.memory_space<semaphore_mem>>) {add = true}
        %dma_wait3A_62 = arith.constant 0 : i32
        %dma_wait3A_63 = tpu.memref_slice %arg14[%dma_wait3A_62] : memref<10000xf32, #tpu.memory_space<vmem_shared>> -> memref<10000xf32, #tpu.memory_space<vmem_shared>>
        tpu.wait_indirect_dma semaphore(%run_scoped3A : memref<!tpu.dma_semaphore, #tpu.memory_space<semaphore_mem>>) src(%arg12 : memref<80xf32, #tpu.memory_space<vmem>>) dst(%dma_wait3A_63 : memref<10000xf32, #tpu.memory_space<vmem_shared>>)
        tpu.yield
      }) : () -> ()
    }
    %scan3A_39 = arith.constant 125 : i32
    %barrier3A_40 = arith.constant 0 : index
    tpu.barrier barrier_id(%barrier3A_40)
    %mul3A_41 = arith.constant 624 : i32
    %mul3A_42 = arith.muli %arg1, %mul3A_41 : i32
    %mul3A_43 = arith.constant 624 : i32
    %mul3A_44 = arith.muli %arg1, %mul3A_43 : i32
    "tpu.region"() ({
      %run_scoped3A = tpu.sem_alloc : memref<!tpu.dma_semaphore, #tpu.memory_space<semaphore_mem>>
      %dma_start3A = arith.constant 0 : i32
      %dma_start3A_50 = tpu.memref_slice %arg7[%arg0, %mul3A_44, %dma_start3A] : memref<2x10000x128xf32, #tpu.memory_space<hbm>> -> memref<1x624x128xf32, #tpu.memory_space<hbm>>
      %dma_start3A_51 = tpu.memref_squeeze %dma_start3A_50 : memref<1x624x128xf32, #tpu.memory_space<hbm>> -> memref<624x128xf32, #tpu.memory_space<hbm>>
      %dma_start3A_52 = arith.constant 0 : i32
      %dma_start3A_53 = tpu.memref_slice %arg13[%mul3A_42, %dma_start3A_52] : memref<10000x128xf32, #tpu.memory_space<vmem_shared>> -> memref<624x128xf32, #tpu.memory_space<vmem_shared>>
      tpu.enqueue_dma source(%dma_start3A_53 : memref<624x128xf32, #tpu.memory_space<vmem_shared>>) target(%dma_start3A_51 : memref<624x128xf32, #tpu.memory_space<hbm>>) target_semaphore(%run_scoped3A : memref<!tpu.dma_semaphore, #tpu.memory_space<semaphore_mem>>)
      %dma_wait3A = arith.constant 0 : i32
      %dma_wait3A_54 = tpu.memref_slice %arg7[%arg0, %mul3A_44, %dma_wait3A] : memref<2x10000x128xf32, #tpu.memory_space<hbm>> -> memref<1x624x128xf32, #tpu.memory_space<hbm>>
      %dma_wait3A_55 = tpu.memref_squeeze %dma_wait3A_54 : memref<1x624x128xf32, #tpu.memory_space<hbm>> -> memref<624x128xf32, #tpu.memory_space<hbm>>
      %dma_wait3A_56 = arith.constant 0 : i32
      %dma_wait3A_57 = tpu.memref_slice %arg13[%mul3A_42, %dma_wait3A_56] : memref<10000x128xf32, #tpu.memory_space<vmem_shared>> -> memref<624x128xf32, #tpu.memory_space<vmem_shared>>
      tpu.wait_dma2 semaphore(%run_scoped3A : memref<!tpu.dma_semaphore, #tpu.memory_space<semaphore_mem>>) src(%dma_wait3A_57 : memref<624x128xf32, #tpu.memory_space<vmem_shared>>) dst(%dma_wait3A_55 : memref<624x128xf32, #tpu.memory_space<hbm>>)
      tpu.yield
    }) : () -> ()
    %eq3A_45 = arith.constant 0 : i32
    %eq3A_46 = arith.cmpi eq, %arg1, %eq3A_45 : i32
    %convert_element_type3A_47 = arith.extui %eq3A_46 : i1 to i32
    %cond3A_48 = arith.constant 0 : i32
    %cond3A_49 = arith.cmpi ne, %convert_element_type3A_47, %cond3A_48 : i32
    scf.if %cond3A_49 {
      "tpu.region"() ({
        %run_scoped3A_50 = tpu.sem_alloc : memref<!tpu.dma_semaphore, #tpu.memory_space<semaphore_mem>>
        %dma_start3A = arith.constant 9984 : i32
        %dma_start3A_51 = arith.constant 0 : i32
        %dma_start3A_52 = tpu.memref_slice %arg7[%arg0, %dma_start3A, %dma_start3A_51] : memref<2x10000x128xf32, #tpu.memory_space<hbm>> -> memref<1x16x128xf32, #tpu.memory_space<hbm>>
        %dma_start3A_53 = tpu.memref_squeeze %dma_start3A_52 : memref<1x16x128xf32, #tpu.memory_space<hbm>> -> memref<16x128xf32, #tpu.memory_space<hbm>>
        %dma_start3A_54 = arith.constant 9984 : i32
        %dma_start3A_55 = arith.constant 0 : i32
        %dma_start3A_56 = tpu.memref_slice %arg13[%dma_start3A_54, %dma_start3A_55] : memref<10000x128xf32, #tpu.memory_space<vmem_shared>> -> memref<16x128xf32, #tpu.memory_space<vmem_shared>>
        tpu.enqueue_dma source(%dma_start3A_56 : memref<16x128xf32, #tpu.memory_space<vmem_shared>>) target(%dma_start3A_53 : memref<16x128xf32, #tpu.memory_space<hbm>>) target_semaphore(%run_scoped3A_50 : memref<!tpu.dma_semaphore, #tpu.memory_space<semaphore_mem>>)
        %dma_wait3A = arith.constant 9984 : i32
        %dma_wait3A_57 = arith.constant 0 : i32
        %dma_wait3A_58 = tpu.memref_slice %arg7[%arg0, %dma_wait3A, %dma_wait3A_57] : memref<2x10000x128xf32, #tpu.memory_space<hbm>> -> memref<1x16x128xf32, #tpu.memory_space<hbm>>
        %dma_wait3A_59 = tpu.memref_squeeze %dma_wait3A_58 : memref<1x16x128xf32, #tpu.memory_space<hbm>> -> memref<16x128xf32, #tpu.memory_space<hbm>>
        %dma_wait3A_60 = arith.constant 9984 : i32
        %dma_wait3A_61 = arith.constant 0 : i32
        %dma_wait3A_62 = tpu.memref_slice %arg13[%dma_wait3A_60, %dma_wait3A_61] : memref<10000x128xf32, #tpu.memory_space<vmem_shared>> -> memref<16x128xf32, #tpu.memory_space<vmem_shared>>
        tpu.wait_dma2 semaphore(%run_scoped3A_50 : memref<!tpu.dma_semaphore, #tpu.memory_space<semaphore_mem>>) src(%dma_wait3A_62 : memref<16x128xf32, #tpu.memory_space<vmem_shared>>) dst(%dma_wait3A_59 : memref<16x128xf32, #tpu.memory_space<hbm>>)
        tpu.yield
      }) : () -> ()
      %run_scoped3A = arith.constant 0 : i32
      "tpu.region"() ({
        %run_scoped3A_50 = tpu.sem_alloc : memref<!tpu.dma_semaphore, #tpu.memory_space<semaphore_mem>>
        %dma_start3A = arith.constant 0 : i32
        %dma_start3A_51 = tpu.memref_slice %arg8[%arg0, %run_scoped3A, %dma_start3A] : memref<2x1x10000xf32, #tpu.memory_space<hbm>> -> memref<1x1x10000xf32, #tpu.memory_space<hbm>>
        %dma_start3A_52 = tpu.memref_squeeze %dma_start3A_51 : memref<1x1x10000xf32, #tpu.memory_space<hbm>> -> memref<10000xf32, #tpu.memory_space<hbm>>
        tpu.enqueue_dma source(%arg14 : memref<10000xf32, #tpu.memory_space<vmem_shared>>) target(%dma_start3A_52 : memref<10000xf32, #tpu.memory_space<hbm>>) target_semaphore(%run_scoped3A_50 : memref<!tpu.dma_semaphore, #tpu.memory_space<semaphore_mem>>)
        %dma_wait3A = arith.constant 0 : i32
        %dma_wait3A_53 = tpu.memref_slice %arg8[%arg0, %run_scoped3A, %dma_wait3A] : memref<2x1x10000xf32, #tpu.memory_space<hbm>> -> memref<1x1x10000xf32, #tpu.memory_space<hbm>>
        %dma_wait3A_54 = tpu.memref_squeeze %dma_wait3A_53 : memref<1x1x10000xf32, #tpu.memory_space<hbm>> -> memref<10000xf32, #tpu.memory_space<hbm>>
        tpu.wait_dma2 semaphore(%run_scoped3A_50 : memref<!tpu.dma_semaphore, #tpu.memory_space<semaphore_mem>>) src(%arg14 : memref<10000xf32, #tpu.memory_space<vmem_shared>>) dst(%dma_wait3A_54 : memref<10000xf32, #tpu.memory_space<hbm>>)
        tpu.yield
      }) : () -> ()
    } else {
    }
    return
  }
}

module attributes {stable_mosaic.version = 14 : i64} {
  func.func @_mm_body(%arg0: memref<10000x128xf32, #tpu.memory_space<vmem>>, %arg1: memref<128x128xf32, #tpu.memory_space<vmem>>, %arg2: memref<1x128xf32, #tpu.memory_space<vmem>>, %arg3: memref<10000x128xf32, #tpu.memory_space<vmem>>) attributes {dimension_semantics = [], scalar_prefetch = 0 : i64, scratch_operands = 0 : i64, tpu.core_type = #tpu.core_type<tc>} {
    %get3A = arith.constant 0 : index
    %get3A_0 = arith.constant 0 : index
    %get3A_1 = vector.load %arg0[%get3A, %get3A_0] : memref<10000x128xf32, #tpu.memory_space<vmem>>, vector<10000x128xf32>
    %get3A_2 = arith.constant 0 : index
    %get3A_3 = arith.constant 0 : index
    %get3A_4 = vector.load %arg1[%get3A_2, %get3A_3] : memref<128x128xf32, #tpu.memory_space<vmem>>, vector<128x128xf32>
    %dot_general3A = arith.constant dense<0.000000e+00> : vector<10000x128xf32>
    %dot_general3A_5 = tpu.matmul %get3A_1, %get3A_4, %dot_general3A {dimension_numbers = #tpu.dot_dimension_numbers<[1], [1], [0], [0], [0, 0, 1, 0], [], []>, transpose_lhs_hint = false} : vector<10000x128xf32>, vector<128x128xf32>, vector<10000x128xf32> -> vector<10000x128xf32>
    %get3A_6 = arith.constant 0 : index
    %get3A_7 = arith.constant 0 : index
    %get3A_8 = vector.load %arg2[%get3A_6, %get3A_7] : memref<1x128xf32, #tpu.memory_space<vmem>>, vector<1x128xf32>
    %add3A = vector.broadcast %get3A_8 : vector<1x128xf32> to vector<10000x128xf32>
    %add3A_9 = arith.addf %dot_general3A_5, %add3A : vector<10000x128xf32>
    %swap3A = arith.constant 0 : index
    %swap3A_10 = arith.constant 0 : index
    %swap3A_11 = vector.load %arg3[%swap3A, %swap3A_10] : memref<10000x128xf32, #tpu.memory_space<vmem>>, vector<10000x128xf32>
    tpu.vector_store %arg3[%swap3A, %swap3A_10], %add3A_9 {strides = array<i32>} : memref<10000x128xf32, #tpu.memory_space<vmem>>, vector<10000x128xf32>,
    return
  }
}

module attributes {stable_mosaic.version = 14 : i64} {
  func.func @_comb_body(%arg0: memref<2x10000x128xf32, #tpu.memory_space<vmem>>, %arg1: memref<2x10000xf32, #tpu.memory_space<vmem>>, %arg2: memref<10000x128xf32, #tpu.memory_space<vmem>>) attributes {dimension_semantics = [], scalar_prefetch = 0 : i64, scratch_operands = 0 : i64, tpu.core_type = #tpu.core_type<tc>} {
    %get3A = arith.constant 0 : index
    %get3A_0 = arith.constant 0 : index
    %get3A_1 = arith.constant 0 : index
    %get3A_2 = vector.load %arg0[%get3A, %get3A_0, %get3A_1] : memref<2x10000x128xf32, #tpu.memory_space<vmem>>, vector<1x10000x128xf32>
    %get3A_3 = vector.shape_cast %get3A_2 : vector<1x10000x128xf32> to vector<10000x128xf32>
    %get3A_4 = arith.constant 1 : index
    %get3A_5 = arith.constant 0 : index
    %get3A_6 = arith.constant 0 : index
    %get3A_7 = vector.load %arg0[%get3A_4, %get3A_5, %get3A_6] : memref<2x10000x128xf32, #tpu.memory_space<vmem>>, vector<1x10000x128xf32>
    %get3A_8 = vector.shape_cast %get3A_7 : vector<1x10000x128xf32> to vector<10000x128xf32>
    %add3A = arith.addf %get3A_3, %get3A_8 : vector<10000x128xf32>
    %get3A_9 = arith.constant 0 : index
    %get3A_10 = arith.constant 0 : index
    %get3A_11 = vector.load %arg1[%get3A_9, %get3A_10] : memref<2x10000xf32, #tpu.memory_space<vmem>>, vector<1x10000xf32>
    %get3A_12 = vector.shape_cast %get3A_11 : vector<1x10000xf32> to vector<10000xf32>
    %get3A_13 = arith.constant 1 : index
    %get3A_14 = arith.constant 0 : index
    %get3A_15 = vector.load %arg1[%get3A_13, %get3A_14] : memref<2x10000xf32, #tpu.memory_space<vmem>>, vector<1x10000xf32>
    %get3A_16 = vector.shape_cast %get3A_15 : vector<1x10000xf32> to vector<10000xf32>
    %add3A_17 = arith.addf %get3A_12, %get3A_16 : vector<10000xf32>
    %max3A = arith.constant 1.000000e+00 : f32
    %max3A_18 = vector.broadcast %max3A : f32 to vector<10000xf32>
    %max3A_19 = arith.maximumf %add3A_17, %max3A_18 : vector<10000xf32>
    %broadcast_in_dim3A = vector.shape_cast %max3A_19 : vector<10000xf32> to vector<10000x1xf32>
    %div3A = vector.broadcast %broadcast_in_dim3A : vector<10000x1xf32> to vector<10000x128xf32>
    %div3A_20 = arith.divf %add3A, %div3A : vector<10000x128xf32>
    %swap3A = arith.constant 0 : index
    %swap3A_21 = arith.constant 0 : index
    %swap3A_22 = vector.load %arg2[%swap3A, %swap3A_21] : memref<10000x128xf32, #tpu.memory_space<vmem>>, vector<10000x128xf32>
    tpu.vector_store %arg2[%swap3A, %swap3A_21], %div3A_20 {strides = array<i32>} : memref<10000x128xf32, #tpu.memory_space<vmem>>, vector<10000x128xf32>,
    return
  }
}

module attributes {stable_mosaic.version = 14 : i64} {
  func.func @_comb_body(%arg0: memref<2x10000x128xf32, #tpu.memory_space<vmem>>, %arg1: memref<2x10000xf32, #tpu.memory_space<vmem>>, %arg2: memref<10000x128xf32, #tpu.memory_space<vmem>>) attributes {dimension_semantics = [], scalar_prefetch = 0 : i64, scratch_operands = 0 : i64, tpu.core_type = #tpu.core_type<tc>} {
    %get3A = arith.constant 0 : index
    %get3A_0 = arith.constant 0 : index
    %get3A_1 = arith.constant 0 : index
    %get3A_2 = vector.load %arg0[%get3A, %get3A_0, %get3A_1] : memref<2x10000x128xf32, #tpu.memory_space<vmem>>, vector<1x10000x128xf32>
    %get3A_3 = vector.shape_cast %get3A_2 : vector<1x10000x128xf32> to vector<10000x128xf32>
    %get3A_4 = arith.constant 1 : index
    %get3A_5 = arith.constant 0 : index
    %get3A_6 = arith.constant 0 : index
    %get3A_7 = vector.load %arg0[%get3A_4, %get3A_5, %get3A_6] : memref<2x10000x128xf32, #tpu.memory_space<vmem>>, vector<1x10000x128xf32>
    %get3A_8 = vector.shape_cast %get3A_7 : vector<1x10000x128xf32> to vector<10000x128xf32>
    %add3A = arith.addf %get3A_3, %get3A_8 : vector<10000x128xf32>
    %get3A_9 = arith.constant 0 : index
    %get3A_10 = arith.constant 0 : index
    %get3A_11 = vector.load %arg1[%get3A_9, %get3A_10] : memref<2x10000xf32, #tpu.memory_space<vmem>>, vector<1x10000xf32>
    %get3A_12 = vector.shape_cast %get3A_11 : vector<1x10000xf32> to vector<10000xf32>
    %get3A_13 = arith.constant 1 : index
    %get3A_14 = arith.constant 0 : index
    %get3A_15 = vector.load %arg1[%get3A_13, %get3A_14] : memref<2x10000xf32, #tpu.memory_space<vmem>>, vector<1x10000xf32>
    %get3A_16 = vector.shape_cast %get3A_15 : vector<1x10000xf32> to vector<10000xf32>
    %add3A_17 = arith.addf %get3A_12, %get3A_16 : vector<10000xf32>
    %max3A = arith.constant 1.000000e+00 : f32
    %max3A_18 = vector.broadcast %max3A : f32 to vector<10000xf32>
    %max3A_19 = arith.maximumf %add3A_17, %max3A_18 : vector<10000xf32>
    %broadcast_in_dim3A = vector.shape_cast %max3A_19 : vector<10000xf32> to vector<10000x1xf32>
    %div3A = vector.broadcast %broadcast_in_dim3A : vector<10000x1xf32> to vector<10000x128xf32>
    %div3A_20 = arith.divf %add3A, %div3A : vector<10000x128xf32>
    %swap3A = arith.constant 0 : index
    %swap3A_21 = arith.constant 0 : index
    %swap3A_22 = vector.load %arg2[%swap3A, %swap3A_21] : memref<10000x128xf32, #tpu.memory_space<vmem>>, vector<10000x128xf32>
    tpu.vector_store %arg2[%swap3A, %swap3A_21], %div3A_20 {strides = array<i32>} : memref<10000x128xf32, #tpu.memory_space<vmem>>, vector<10000x128xf32>,
    return
  }
}

</mosaic_0001>

<sc_bundles>
// kernel: kernel.10.cloned.1.call-start
scs
__scs_entry_jumppad:
0x0: {  	(pc) =	sbr.rel $0x88, $3  }
0x1: {  	(tag) =	ssettag $0x0;
	lr =	simm.s32 $0x1  }
0x2: {  	[smem:$0x3F9D] =	sst lr;
	_ =	strace $0xD0000000  }
0x3: {  	_ = 	snop  }
0x4: {  	_ = 	snop  }
0x5: {  	_ = 	snop  }
0x6: {  	_ = 	snop  }
0x7: {  	_ = 	snop  }
__scs_overlays_trampoline_lowered:
0x8: {  	[smem:$0x3FAC] =	sst s0  }
0x9: {  	[smem:$0x3FAD] =	sst s1  }
0xa: {  	[smem:$0x3FAE] =	sst s2  }
0xb: {  	[smem:$0x3FAF] =	sst s3  }
0xc: {  	[smem:$0x3FB0] =	sst s4  }
0xd: {  	[smem:$0x3FB1] =	sst s5  }
0xe: {  	[smem:$0x3FB2] =	sst s6  }
0xf: {  	[smem:$0x3FB3] =	sst s7  }
0x10: {  	[smem:$0x3FB4] =	sst s8  }
0x11: {  	[smem:$0x3FB5] =	sst s9;
	s0 =	simm.s32 @!p0 $0x0  }
0x12: {  	s1 =	sld [smem:$0x3F9B];
	s0 =	simm.s32 @p0 $0x1  }
0x13: {  	[smem:$0x3FB6] =	sst s0;
	s0 =	simm.s32 @!p1 $0x0  }
0x14: {  	s2 =	sld [smem:$0x3F9A];
	s0 =	simm.s32 @p1 $0x1  }
0x15: {  	[smem:$0x3FB7] =	sst s0;
	s0 =	simm.s32 @!p2 $0x0  }
0x16: {  	s3 =	sld [smem:$0x3FDB];
	s0 =	simm.s32 @p2 $0x1  }
0x17: {  	s4 =	simm.s32 $0x1BF5;
	[smem:$0x3FB9] =	sst s0  }
0x18: {  	s0 =	sld [smem:$0x3F9C];
	_ =	swait.ge [sflag:s4], $0x0  }
0x19: {  	s7 =	sld [smem:$0x3F9D]  }
0x1a: {  	s8 =	sadd.s32 $0xFFFFE003, lr  }
0x1b: {  	s9 =	sadd.s32 $0xFFFFFEF7, lr;
	s5 =	simm.s32 $0xFFFFFFFF;
	p2 =	slt.u32 s8, $0xFFFFF086  }
0x1c: {  	p1 =	slt.u32 s9, $0xF7A;
	s5 =	simm.s32 @!p2 $0x0  }
0x1d: {  	s5 =	simm.s32 @p1 $0x1;
	p0 =	seq.s32 s7, s2  }
0x1e: {  	s7 =	smul.u32 @!p0 $0xF7A, s2;
	p2 =	seq.s32 @!p0 s5, $0x0  }
0x1f: {  	s9 =	smul.u32 $0xF7A, s1;
	s8 =	simm.s32 @!p0 $0x1BF5;
	p2 =	por !p2, p0  }
0x20: {  	[sflag:s8] =	ssyncset.s32 @!p0 $0xFFFFF086;
	s6 =	sadd.s32 @!p0 s3, s7;
	s7 =	simm.s32 @!p0 $0x108  }
0x21: {  	s3 =	sadd.s32 s3, s9;
	s6 =	sadd.s32 @!p0 $0x88, s6;
	s7 =	simm.s32 @p2 $0x1082  }
0x22: {  	[simem:s7], [sflag:s8] =	dma.local @!p0 [hbm:s6], $0xF7A  }
0x23: {  	s9 =	sor.u32 $0xD0000000, s2;
	s6 =	simm.s32 $0x108;
	_ =	swait.ge @!p0 [sflag:s8], $0x0  }
0x24: {  	s3 =	sadd.s32 $0x88, s3;
	s6 =	simm.s32 @!p1 $0x1082;
	[sflag:s4] =	ssyncset.s32 $0xFFFFF086  }
0x25: {  	[simem:s6], [sflag:s4] =	dma.local [hbm:s3], $0xF7A  }
0x26: {  	[smem:$0x3F9D] =	sst s1;
	(tag) =	ssettag s2;
	_ =	strace s9  }
0x27: {  	s1 =	sld [smem:$0x3FAD]  }
0x28: {  	s2 =	sld [smem:$0x3FAE]  }
0x29: {  	s4 =	sld [smem:$0x3FB0]  }
0x2a: {  	p0 =	seq.s32 s5, $0x0;
	s5 =	sld [smem:$0x3FB1]  }
0x2b: {  	s6 =	sld [smem:$0x3FB2]  }
0x2c: {  	s7 =	sld [smem:$0x3FB3]  }
0x2d: {  	s3 =	simm.s32 $0x108;
	s8 =	sld [smem:$0x3FB4]  }
0x2e: {  	s3 =	simm.s32 @!p0 $0x1082;
	s9 =	sld [smem:$0x3FB5]  }
0x2f: {  	lr =	sadd.s32 s0, s3;
	s0 =	sld [smem:$0x3FAC]  }
0x30: {  	s3 =	sld [smem:$0x3FAF]  }
0x31: {  	[smem:$0x3FB8] =	sst s10  }
0x32: {  	s10 =	sld [smem:$0x3FB6];
	_ =	sdelay $0x3  }
0x33: {  	p0 =	seq.s32 s10, $0x1;
	s10 =	sld [smem:$0x3FB8];
	_ =	sdelay $0x3  }
0x34: {  	[smem:$0x3FB8] =	sst s10  }
0x35: {  	s10 =	sld [smem:$0x3FB7];
	_ =	sdelay $0x3  }
0x36: {  	p1 =	seq.s32 s10, $0x1;
	s10 =	sld [smem:$0x3FB8];
	_ =	sdelay $0x3  }
0x37: {  	[smem:$0x3FB8] =	sst s10  }
0x38: {  	s10 =	sld [smem:$0x3FB9]  }
0x39: {  	_ = 	snop;
	(pc) =	sbr.ind lr, $3  }
0x3a: {  	_ = 	snop  }
0x3b: {  	_ = 	snop  }
0x3c: {  	p2 =	seq.s32 s10, $0x1;
	s10 =	sld [smem:$0x3FB8]  }
0x3d: {  	_ =	shalt  }
0x3e: {  	_ =	shalt  }
0x3f: {  	_ =	shalt  }
0x40: {  	_ =	shalt  }
0x41: {  	_ =	shalt  }
0x42: {  	_ =	shalt  }
0x43: {  	_ =	shalt  }
0x44: {  	_ =	shalt  }
0x45: {  	_ =	shalt  }
0x46: {  	_ =	shalt  }
0x47: {  	_ =	shalt  }
0x48: {  	_ =	shalt  }
0x49: {  	_ =	shalt  }
0x4a: {  	_ =	shalt  }
0x4b: {  	_ =	shalt  }
0x4c: {  	_ =	shalt  }
0x4d: {  	_ =	shalt  }
0x4e: {  	_ =	shalt  }
0x4f: {  	_ =	shalt  }
0x50: {  	_ =	shalt  }
0x51: {  	_ =	shalt  }
0x52: {  	_ =	shalt  }
0x53: {  	_ =	shalt  }
0x54: {  	_ =	shalt  }
0x55: {  	_ =	shalt  }
0x56: {  	_ =	shalt  }
0x57: {  	_ =	shalt  }
0x58: {  	_ =	shalt  }
0x59: {  	_ =	shalt  }
0x5a: {  	_ =	shalt  }
0x5b: {  	_ =	shalt  }
0x5c: {  	_ =	shalt  }
0x5d: {  	_ =	shalt  }
0x5e: {  	_ =	shalt  }
0x5f: {  	_ =	shalt  }
0x60: {  	_ =	shalt  }
0x61: {  	_ =	shalt  }
0x62: {  	_ =	shalt  }
0x63: {  	_ =	shalt  }
0x64: {  	_ =	shalt  }
0x65: {  	_ =	shalt  }
0x66: {  	_ =	shalt  }
0x67: {  	_ =	shalt  }
0x68: {  	_ =	shalt  }
0x69: {  	_ =	shalt  }
0x6a: {  	_ =	shalt  }
0x6b: {  	_ =	shalt  }
0x6c: {  	_ =	shalt  }
0x6d: {  	_ =	shalt  }
0x6e: {  	_ =	shalt  }
0x6f: {  	_ =	shalt  }
0x70: {  	_ =	shalt  }
0x71: {  	_ =	shalt  }
0x72: {  	_ =	shalt  }
0x73: {  	_ =	shalt  }
0x74: {  	_ =	shalt  }
0x75: {  	_ =	shalt  }
0x76: {  	_ =	shalt  }
0x77: {  	_ =	shalt  }
0x78: {  	_ =	shalt  }
0x79: {  	_ =	shalt  }
0x7a: {  	_ =	shalt  }
0x7b: {  	_ =	shalt  }
0x7c: {  	_ =	shalt  }
0x7d: {  	_ =	shalt  }
0x7e: {  	_ =	shalt  }
0x7f: {  	_ =	shalt  }
0x80: {  	_ =	shalt  }
0x81: {  	_ =	shalt  }
0x82: {  	_ =	shalt  }
0x83: {  	_ =	shalt  }
0x84: {  	_ =	shalt  }
0x85: {  	_ =	shalt  }
0x86: {  	_ =	shalt  }
0x87: {  	_ =	shalt  }
.Lfunc_end0:
.L_simem_size_0:
called_computation.1_lowered:
.L_overlay_start_0:
0x88: {  	s2 =	sld [smem:$0x3FD9]  }
0x89: {  	s3 =	sld [smem:$0x3FFE];
	_ =	sdelay $0x1  }
0x8a: {  	s1 =	srdreg.scid  }
0x8b: {  	s0 =	sand.u32 $0x1, s1  }
0x8c: {  	s17 =	sshll.u32 s0, $0xA;
	s2 =	sadd.s32 s3, s2  }
0x8d: {  	s2 =	sadd.s32 s2, s17  }
0x8e: {  	[smem:$0x3FC4] =	sst s2  }
0x8f: {  	_ = 	snop  }
0x90: {  	s2 =	sld [smem:$0x3FD0];
	(tm) =	ssettm $0x1  }
0x91: {  	s18 =	sld [smem:$0x3FFB];
	_ =	sdelay $0x3  }
0x92: {  	_ =	strace s18  }
0x93: {  	s3 =	sld [smem:$0x3FFC];
	_ =	sdelay $0x3  }
0x94: {  	_ =	strace s3  }
0x95: {  	s3 =	sld [smem:$0x3FFD];
	_ =	sdelay $0x3  }
0x96: {  	_ =	strace s3  }
0x97: {  	_ =	strace $0x8FFFFFFF  }
0x98: {  	s19 =	sld [smem:$0x3FDB];
	_ =	sdelay $0x1  }
0x99: {  	s4 =	simm.s32 $_scs_section_size  }
0x9a: {  	s5 =	simm.s32 $_size__tile_overlayer_lowered;
	s6 =	simm.s32 $_tile_overlayer_lowered  }
0x9b: {  	s22 =	simm.s32 $0x1BFF;
	s21 =	sshll.u32 s6, $0x1;
	s3 =	sadd.s32 s4, s19  }
0x9c: {  	s7 =	simm.s32 $0x0;
	s20 =	sshll.u32 s5, $0x1;
	s5 =	sadd.s32 s21, s3  }
0x9d: {  	[timem:s7], [sflag:s22] =	dma.local [hbm:s5], s20  }
0x9e: {  	_ =	swait.ge [sflag:s22], s20  }
0x9f: {  	s4 =	ssub.s32 $0x0, s20;
	[sflag:s22] =	ssyncset.done $0x0  }
0xa0: {  	[sflag:s22] =	ssyncadd.s32 s4;
	_ =	sdelay $0x1  }
0xa1: {  	s23 =	simm.s32 $0x1B8B  }
0xa2: {  	_ =	swait.ge [sflag:s23], $0x1  }
0xa3: {  	[sflag:s23] =	ssyncset.done $0x0  }
0xa4: {  	s25 =	simm.s32 $0x1B8E;
	s24 =	sld [smem:$0x3FFE];
	[sflag:s23] =	ssyncadd.s32 $0xFFFFFFFF  }
0xa5: {  	s26 =	simm.s32 $execute0_lowered;
	[smem:$0x3FD2] =	sst s25  }
0xa6: {  	s5 =	sshll.u32 s26, $0x1;
	_ =	strace $0x80000049;
	[dreg:$0x1] =	wrdreg $0xFFFFFFFF  }
0xa7: {  	s28 =	simm.s32 $_size_execute0_lowered;
	s3 =	sadd.s32 s3, s5;
	[dreg:$0x0] =	wrdreg $0x0  }
0xa8: {  	s5 =	sshll.u32 s28, $0x1;
	[dreg:$0x2] =	wrdreg s3  }
0xa9: {  	[dreg:$0x3] =	wrdreg s5  }
0xaa: {  	[dreg:$0x4] =	wrdreg $0xC0  }
0xab: {  	_ =	task [dreg:s7], $0x5FFFF  }
0xac: {  	[dreg:$0x1] =	wrdreg $0xFFFFFFFF  }
0xad: {  	[dreg:$0x0] =	wrdreg $0x60  }
0xae: {  	[dreg:$0x2] =	wrdreg s2  }
0xaf: {  	[dreg:$0x3] =	wrdreg s24  }
0xb0: {  	[dreg:$0x4] =	wrdreg $0x29800  }
0xb1: {  	[dreg:$0x5] =	wrdreg $0x162000  }
0xb2: {  	[dreg:$0x6] =	wrdreg $0x9  }
0xb3: {  	_ =	task.clear_ibuf [dreg:s7], $0x7FFFF;
	_ =	strace $0x90000049  }
0xb4: {  	s29 =	simm.s32 $0x9;
	_ =	strace $0x8000004B  }
0xb5: {  	_ =	swait.ge [sflag:s29], $0x1  }
0xb6: {  	[sflag:s29] =	ssyncadd.s32 $0xFFFFFFFF  }
0xb7: {  	_ =	strace $0x9000004B  }
0xb8: {  	_ =	sfence  }
0xb9: {  	s30 =	sld [smem:$0x0];
	_ =	sdelay $0x2  }
0xba: {  	s31 =	sshll.u32 s1, $0xD;
	s1 =	sshrl.u32 s1, $0x2  }
0xbb: {  	s3 =	sand.u32 $0x4000, s31;
	s1 =	sadd.s32 s1, s30  }
0xbc: {  	s0 =	sor.u32 s3, s0;
	s1 =	sshll.u32 s1, $0x11  }
0xbd: {  	s0 =	sor.u32 s1, s0  }
0xbe: {  	s0 =	sadd.s32 $0x8F2B, s0  }
0xbf: {  	[sflag:s0] =	ssyncadd.remote.s32 $0x1  }
0xc0: {  	_ =	sfence.sel $0xFFFF  }
0xc1: {  	[dreg:$0x0] =	wrdreg $0xFFFFFFFF;
	(pc) =	sbr.abs _section_cstart, $3  }
0xc2: {  	[dreg:$0x1] =	wrdreg $0xFFFFFFFF  }
0xc3: {  	_ =	task.clear_ibuf [dreg:s7], $0x2FFFF;
	_ =	strace $0x9FFFFFFF  }
0xc4: {  	(tm) =	ssettm $0x7FFFFFFF  }
0xc5: {  	_ =	shalt  }
tec
execute0_lowered:
.L_overlay_start_1:
0x0: {  	(tag) =	ssettag $0x1  }
0x1: {  	s0 =	rddreg [dreg:$0x0]  }
0x2: {  	s8 =	rddreg [dreg:$0x1];
	s2 =	srdreg.scid  }
0x3: {  	s1 =	rddreg [dreg:$0x2];
	s15 =	stileid.u32  }
0x4: {  	s3 =	rddreg [dreg:$0x3];
	s4 =	simm.s32 $0x0;
	s20 =	simm.s32 $0x50  }
0x5: {  	s21 =	simm.s32 $0x100;
	s22 =	simm.s32 $0x1;
	s23 =	simm.s32 $0x2900  }
0x6: {  	s6 =	sand.u32 $0x1, s2;
	s7 =	smul.u32 $0x2710, s15;
	s2 =	rddreg [dreg:$0x4]  }
0x7: {  	s24 =	simm.s32 $0x0;
	s9 =	smul.u32 $0x13800, s15;
	[smem:$0x7FF] =	sst s4  }
0x8: {  	s12 =	smul.u32 $0x4E000, s15;
	s13 =	sadd.s32 $0x3D400, s8;
	s30 =	sshll.u32 s15, $0x6  }
0x9: {  	s19 =	sadd.s32 $0x138000, s1;
	p0 =	sne.s32 s15, $0x0;
	s5 =	smul.u32 $0x27100, s6  }
0xa: {  	_ =	strace $0x8000004A;
	s10 =	smul.u32 $0x4F0, s6;
	s11 =	ssub.s32 $0x2, s6  }
0xb: {  	s29 =	smul.u32 $0x138800, s6;
	s25 =	sshrl.u32 s9, $0x3;
	s26 =	sshrl.u32 s11, $0x1  }
0xc: {  	s28 =	sshrl.u32 s12, $0x2;
	s5 =	sadd.s32 s7, s5;
	s7 =	sadd.s32 s25, s8  }
0xd: {  	s16 =	sadd.s32 s10, s8;
	s17 =	ssub.s32 s11, s26;
	s18 =	sadd.s32 s28, s1  }
0xe: {  	s9 =	sadd.s32 s9, s29;
	s31 =	sshrl.u32 s29, $0x3;
	s5 =	sshrl.u32 s5, $0x3  }
0xf: {  	s6 =	sadd.s32 $0x15800, s7;
	s7 =	sor.u32 $0x1C02, s30;
	s9 =	sshrl.u32 s9, $0x3  }
0x10: {  	s10 =	sadd.s32 s13, s31;
	s11 =	sadd.s32 $0x3CA00, s16;
	s12 =	smax.u32 s17, $0x1  }
0x11: {  	s15 =	sshrl.u32 s18, $0x3;
	s16 =	simm.s32 $0x2;
	s17 =	sshrl.u32 @!p0 s19, $0x3  }
0x12: {  	s18 =	sshrl.u32 @!p0 s3, $0x3;
	s19 =	simm.s32 $0x80;
	s14 =	sadd.s32 s5, s8  }
0x13: {  	s5 =	sadd.s32 $0x15200, s8;
	s8 =	sadd.s32 $0x3C800, s8;
	s9 =	sadd.s32 s13, s9  }
0x14: {  	v0 =	vimm.f32 $1.000000000e+00;
	s10 =	sadd.s32 $0x27000, s10;
	s13 =	sadd.s32 $0xB400, s14;
	s14 =	sadd.s32 $0x1600, s14  }
.LBB2_1:
0x15: {  	[tilespmem:$0x2900] =	vst v0  }
0x16: {  	[tilespmem:$0x2910] =	vst v0  }
0x17: {  	[tilespmem:$0x2920] =	vst v0  }
0x18: {  	[tilespmem:$0x2930] =	vst v0  }
0x19: {  	[tilespmem:$0x2940] =	vst v0  }
0x1a: {  	[spmem:s15], [sflag:s7] =	dma.local [hbm:s6], $0x2700  }
0x1b: {  	_ =	swait.ge [sflag:s16], $0x2700  }
0x1c: {  	[sflag:s16] =	ssyncset.done $0x0  }
0x1d: {  	s25 =	simm.s32 @!p0 $0x2;
	[sflag:s16] =	ssyncadd.s32 $0xFFFFD900  }
0x1e: {  	[spmem:s17], [sflag:s7] =	dma.local @!p0 [hbm:s8], $0x100  }
0x1f: {  	_ =	swait.ge @!p0 [sflag:s25], $0x100  }
0x20: {  	[sflag:s25] =	ssyncset.done @!p0 $0x0  }
0x21: {  	[sflag:s25] =	ssyncadd.s32 @!p0 $0xFFFFFF00  }
0x22: {  	[spmem:s18], [sflag:s7] =	dma.local @!p0 [hbm:s5], $0x4F0  }
0x23: {  	_ =	swait.ge @!p0 [sflag:s25], $0x4F0  }
0x24: {  	[sflag:s25] =	ssyncset.done @!p0 $0x0  }
0x25: {  	[sflag:s25] =	ssyncadd.s32 @!p0 $0xFFFFFB10  }
0x26: {  	s30 =	sadd.s32 $0x0, s14;
	[bflag:$0x0] =	sbarrier.arrive $0xFFFF  }
0x27: {  	[tilespmem:s4], [sflag:$0x2] =	stream.linear.gather [hbm4b:s30+s4], $0x50, $0x38;
	[tilespmem:$0x16478] =	vst v63  }
0x28: {  	_ =	swait.ge [sflag:s16], $0x50  }
0x29: {  	[sflag:s16] =	ssyncset.done $0x0  }
0x2a: {  	s31 =	sadd.s32 $0x0, s13;
	[sflag:s16] =	ssyncadd.s32 $0xFFFFFFB0  }
0x2b: {  	[tilespmem:s19], [sflag:$0x2] =	stream.linear.gather [hbm4b:s31+s4], $0x50, $0x38;
	[tilespmem:$0x16478] =	vst v63  }
0x2c: {  	_ =	swait.ge [sflag:s16], $0x50  }
0x2d: {  	[sflag:s16] =	ssyncset.done $0x0  }
0x2e: {  	[sflag:s16] =	ssyncadd.s32 $0xFFFFFFB0  }
0x2f: {  	[tilespmem:s21], [sflag:$0x1] =	stream.indirect.gather [hbm4b:s0+s20], $0x80, s4, s20, $0xb8;
	[tilespmem:$0x16478] =	vst v63  }
0x30: {  	_ =	swait.ge [sflag:s22], $0x2800  }
0x31: {  	[sflag:s22] =	ssyncset.done $0x0  }
0x32: {  	[sflag:s22] =	ssyncadd.s32 $0xFFFFD800  }
0x33: {  	[spmem:s1] =	stream.indirect.scatter.add.f32 [tilespmem:s21], [sflag:$0x2], $0x80, s19, s20, $0xb8;
	[tilespmem:$0x16478] =	vst v63  }
0x34: {  	_ =	swait.ge [sflag:s16], $0x2800  }
0x35: {  	[sflag:s16] =	ssyncset.done $0x0  }
0x36: {  	[sflag:s16] =	ssyncadd.s32 $0xFFFFD800  }
0x37: {  	[spmem:s3] =	stream.indirect.scatter.add.f32 [tilespmem:s23], [sflag:$0x2], $0x1, s19, s20, $0xb8;
	[tilespmem:$0x16478] =	vst v63  }
0x38: {  	_ =	swait.ge [sflag:s16], $0x50  }
0x39: {  	s26 =	simm.s32 $0x14;
	s25 =	simm.s32 $0xA;
	[sflag:s16] =	ssyncset.done $0x0  }
.LBB2_2:
0x3a: {  	s28 =	sadd.s32 s25, s14  }
0x3b: {  	[sflag:s16] =	ssyncadd.s32 $0xFFFFFFB0;
	s29 =	smov.u32 s26;
	s30 =	sadd.s32 $0xA, s26  }
0x3c: {  	[tilespmem:s4], [sflag:$0x2] =	stream.linear.gather [hbm4b:s28+s4], $0x50, $0x38;
	[tilespmem:$0x16478] =	vst v63  }
0x3d: {  	p1 =	sne.s32 s26, $0x4D8;
	_ =	swait.ge [sflag:s16], $0x50  }
0x3e: {  	[sflag:s16] =	ssyncset.done $0x0  }
0x3f: {  	s26 =	sadd.s32 s25, s13;
	s25 =	smov.u32 s29;
	[sflag:s16] =	ssyncadd.s32 $0xFFFFFFB0  }
0x40: {  	[tilespmem:s19], [sflag:$0x2] =	stream.linear.gather [hbm4b:s26+s4], $0x50, $0x38;
	[tilespmem:$0x16478] =	vst v63  }
0x41: {  	_ =	swait.ge [sflag:s16], $0x50  }
0x42: {  	[sflag:s16] =	ssyncset.done $0x0  }
0x43: {  	[sflag:s16] =	ssyncadd.s32 $0xFFFFFFB0  }
0x44: {  	[tilespmem:s21], [sflag:$0x1] =	stream.indirect.gather [hbm4b:s0+s20], $0x80, s4, s20, $0xb8;
	[tilespmem:$0x16478] =	vst v63  }
0x45: {  	_ =	swait.ge [sflag:s22], $0x2800  }
0x46: {  	[sflag:s22] =	ssyncset.done $0x0  }
0x47: {  	[sflag:s22] =	ssyncadd.s32 $0xFFFFD800  }
0x48: {  	[spmem:s1] =	stream.indirect.scatter.add.f32 [tilespmem:s21], [sflag:$0x2], $0x80, s19, s20, $0xb8;
	[tilespmem:$0x16478] =	vst v63  }
0x49: {  	_ =	swait.ge [sflag:s16], $0x2800  }
.Ltmp0:
0x4a: {  	[sflag:s16] =	ssyncset.done $0x0;
	(pc) =	sbr.rel @p1 .LBB2_2-.Ltmp0, $4  }
0x4b: {  	[sflag:s16] =	ssyncadd.s32 $0xFFFFD800  }
0x4c: {  	[spmem:s3] =	stream.indirect.scatter.add.f32 [tilespmem:s23], [sflag:$0x2], $0x1, s19, s20, $0xb8;
	[tilespmem:$0x16478] =	vst v63  }
0x4d: {  	_ =	swait.ge [sflag:s16], $0x50  }
0x4e: {  	s26 =	smov.u32 s30;
	[sflag:s16] =	ssyncset.done $0x0  }
0x4f: {  	s26 =	sadd.s32 s25, s14;
	[sflag:s16] =	ssyncadd.s32 $0xFFFFFFB0  }
0x50: {  	[tilespmem:s4], [sflag:$0x2] =	stream.linear.gather [hbm4b:s26+s4], $0x50, $0x38;
	[tilespmem:$0x16478] =	vst v63  }
0x51: {  	_ =	swait.ge [sflag:s16], $0x50  }
0x52: {  	[sflag:s16] =	ssyncset.done $0x0  }
0x53: {  	s31 =	sadd.s32 s25, s13;
	[sflag:s16] =	ssyncadd.s32 $0xFFFFFFB0  }
0x54: {  	[tilespmem:s19], [sflag:$0x2] =	stream.linear.gather [hbm4b:s31+s4], $0x50, $0x38;
	[tilespmem:$0x16478] =	vst v63  }
0x55: {  	_ =	swait.ge [sflag:s16], $0x50  }
0x56: {  	[sflag:s16] =	ssyncset.done $0x0  }
0x57: {  	[sflag:s16] =	ssyncadd.s32 $0xFFFFFFB0  }
0x58: {  	[tilespmem:s21], [sflag:$0x1] =	stream.indirect.gather [hbm4b:s0+s20], $0x80, s4, s20, $0xb8;
	[tilespmem:$0x16478] =	vst v63  }
0x59: {  	_ =	swait.ge [sflag:s22], $0x2800  }
0x5a: {  	[sflag:s22] =	ssyncset.done $0x0  }
0x5b: {  	[sflag:s22] =	ssyncadd.s32 $0xFFFFD800  }
0x5c: {  	[spmem:s1] =	stream.indirect.scatter.add.f32 [tilespmem:s21], [sflag:$0x2], $0x80, s19, s20, $0xb8;
	[tilespmem:$0x16478] =	vst v63  }
0x5d: {  	_ =	swait.ge [sflag:s16], $0x2800  }
0x5e: {  	[sflag:s16] =	ssyncset.done $0x0  }
0x5f: {  	[sflag:s16] =	ssyncadd.s32 $0xFFFFD800  }
0x60: {  	[spmem:s3] =	stream.indirect.scatter.add.f32 [tilespmem:s23], [sflag:$0x2], $0x1, s19, s20, $0xb8;
	[tilespmem:$0x16478] =	vst v63  }
0x61: {  	_ =	swait.ge [sflag:s16], $0x50  }
0x62: {  	[sflag:s16] =	ssyncset.done $0x0  }
0x63: {  	[sflag:s16] =	ssyncadd.s32 $0xFFFFFFB0  }
0x64: {  	[bflag:$0x0] =	sbarrier.arrive $0xFFFF  }
0x65: {  	[hbm:s9], [sflag:s7] =	dma.local [spmem:s15], $0x2700  }
0x66: {  	_ =	swait.ge [sflag:s16], $0x2700  }
0x67: {  	[sflag:s16] =	ssyncset.done $0x0  }
0x68: {  	s25 =	simm.s32 @!p0 $0x2;
	[sflag:s16] =	ssyncadd.s32 $0xFFFFD900  }
0x69: {  	[hbm:s10], [sflag:s7] =	dma.local @!p0 [spmem:s17], $0x100  }
0x6a: {  	s24 =	sadd.s32 $0x1, s24;
	_ =	swait.ge @!p0 [sflag:s25], $0x100  }
0x6b: {  	p1 =	sne.s32 s24, s12;
	[sflag:s25] =	ssyncset.done @!p0 $0x0  }
.Ltmp1:
0x6c: {  	[sflag:s25] =	ssyncadd.s32 @!p0 $0xFFFFFF00;
	(pc) =	sbr.rel @p1 .LBB2_1-.Ltmp1, $4  }
0x6d: {  	[hbm:s11], [sflag:s7] =	dma.local @!p0 [spmem:s18], $0x4F0  }
0x6e: {  	_ =	swait.ge @!p0 [sflag:s25], $0x4F0  }
0x6f: {  	[sflag:s25] =	ssyncset.done @!p0 $0x0  }
0x70: {  	[sflag:s25] =	ssyncadd.s32 @!p0 $0xFFFFFB10  }
0x71: {  	_ =	sfence.sel $0x180000  }
0x72: {  	[bflag:$0x0] =	sbarrier.arrive $0xFFFF  }
0x73: {  	_ =	strace $0x9000004A  }
0x74: {  	s0 =	sadd.s32 @!p0 $0x100000, s2;
	[bflag:$0x2] =	sbarrier.arrive $0xFFFF  }
0x75: {  	[sflag:s0] =	ssyncadd.tile.s32 @!p0 $0x1;
	_ =	shalt  }
.Lfunc_end2:
_tile_overlayer_lowered:
.L_overlay_start_2:
0x76: {  	(tag) =	ssettag $0x2  }
0x77: {  	s0 =	rddreg [dreg:$0x0];
	s2 =	stileid.u32  }
0x78: {  	s1 =	rddreg [dreg:$0x1];
	p0 =	sne.s32 s2, $0x0  }
0x79: {  	s3 =	rddreg [dreg:$0x2];
	[bflag:$0x3] =	sbarrier.arrive $0xFFFF;
	s2 =	simm.s32 @!p0 $0x1C02  }
0x7a: {  	[timem:s3], [sflag:s2] =	dma.local @!p0 [hbm:s0], s1  }
0x7b: {  	s0 =	simm.s32 @!p0 $0x2  }
0x7c: {  	_ =	swait.ge @!p0 [sflag:s0], s1  }
0x7d: {  	s1 =	ssub.s32 @!p0 $0x0, s1;
	[sflag:s0] =	ssyncset.done @!p0 $0x0  }
0x7e: {  	[sflag:s0] =	ssyncadd.s32 @!p0 s1  }
0x7f: {  	[bflag:$0x3] =	sbarrier.arrive $0xFFFF  }
0x80: {  	_ =	shalt  }

// kernel: kernel.7.cloned.1.call-start
scs
__scs_entry_jumppad:
0x0: {  	(pc) =	sbr.rel $0x88, $3  }
0x1: {  	(tag) =	ssettag $0x0;
	lr =	simm.s32 $0x1  }
0x2: {  	[smem:$0x3F9D] =	sst lr;
	_ =	strace $0xD0000000  }
0x3: {  	_ = 	snop  }
0x4: {  	_ = 	snop  }
0x5: {  	_ = 	snop  }
0x6: {  	_ = 	snop  }
0x7: {  	_ = 	snop  }
__scs_overlays_trampoline_lowered:
0x8: {  	[smem:$0x3FAC] =	sst s0  }
0x9: {  	[smem:$0x3FAD] =	sst s1  }
0xa: {  	[smem:$0x3FAE] =	sst s2  }
0xb: {  	[smem:$0x3FAF] =	sst s3  }
0xc: {  	[smem:$0x3FB0] =	sst s4  }
0xd: {  	[smem:$0x3FB1] =	sst s5  }
0xe: {  	[smem:$0x3FB2] =	sst s6  }
0xf: {  	[smem:$0x3FB3] =	sst s7  }
0x10: {  	[smem:$0x3FB4] =	sst s8  }
0x11: {  	[smem:$0x3FB5] =	sst s9;
	s0 =	simm.s32 @!p0 $0x0  }
0x12: {  	s1 =	sld [smem:$0x3F9B];
	s0 =	simm.s32 @p0 $0x1  }
0x13: {  	[smem:$0x3FB6] =	sst s0;
	s0 =	simm.s32 @!p1 $0x0  }
0x14: {  	s2 =	sld [smem:$0x3F9A];
	s0 =	simm.s32 @p1 $0x1  }
0x15: {  	[smem:$0x3FB7] =	sst s0;
	s0 =	simm.s32 @!p2 $0x0  }
0x16: {  	s3 =	sld [smem:$0x3FDB];
	s0 =	simm.s32 @p2 $0x1  }
0x17: {  	s4 =	simm.s32 $0x1BF5;
	[smem:$0x3FB9] =	sst s0  }
0x18: {  	s0 =	sld [smem:$0x3F9C];
	_ =	swait.ge [sflag:s4], $0x0  }
0x19: {  	s7 =	sld [smem:$0x3F9D]  }
0x1a: {  	s8 =	sadd.s32 $0xFFFFE003, lr  }
0x1b: {  	s9 =	sadd.s32 $0xFFFFFEF7, lr;
	s5 =	simm.s32 $0xFFFFFFFF;
	p2 =	slt.u32 s8, $0xFFFFF086  }
0x1c: {  	p1 =	slt.u32 s9, $0xF7A;
	s5 =	simm.s32 @!p2 $0x0  }
0x1d: {  	s5 =	simm.s32 @p1 $0x1;
	p0 =	seq.s32 s7, s2  }
0x1e: {  	s7 =	smul.u32 @!p0 $0xF7A, s2;
	p2 =	seq.s32 @!p0 s5, $0x0  }
0x1f: {  	s9 =	smul.u32 $0xF7A, s1;
	s8 =	simm.s32 @!p0 $0x1BF5;
	p2 =	por !p2, p0  }
0x20: {  	[sflag:s8] =	ssyncset.s32 @!p0 $0xFFFFF086;
	s6 =	sadd.s32 @!p0 s3, s7;
	s7 =	simm.s32 @!p0 $0x108  }
0x21: {  	s3 =	sadd.s32 s3, s9;
	s6 =	sadd.s32 @!p0 $0x88, s6;
	s7 =	simm.s32 @p2 $0x1082  }
0x22: {  	[simem:s7], [sflag:s8] =	dma.local @!p0 [hbm:s6], $0xF7A  }
0x23: {  	s9 =	sor.u32 $0xD0000000, s2;
	s6 =	simm.s32 $0x108;
	_ =	swait.ge @!p0 [sflag:s8], $0x0  }
0x24: {  	s3 =	sadd.s32 $0x88, s3;
	s6 =	simm.s32 @!p1 $0x1082;
	[sflag:s4] =	ssyncset.s32 $0xFFFFF086  }
0x25: {  	[simem:s6], [sflag:s4] =	dma.local [hbm:s3], $0xF7A  }
0x26: {  	[smem:$0x3F9D] =	sst s1;
	(tag) =	ssettag s2;
	_ =	strace s9  }
0x27: {  	s1 =	sld [smem:$0x3FAD]  }
0x28: {  	s2 =	sld [smem:$0x3FAE]  }
0x29: {  	s4 =	sld [smem:$0x3FB0]  }
0x2a: {  	p0 =	seq.s32 s5, $0x0;
	s5 =	sld [smem:$0x3FB1]  }
0x2b: {  	s6 =	sld [smem:$0x3FB2]  }
0x2c: {  	s7 =	sld [smem:$0x3FB3]  }
0x2d: {  	s3 =	simm.s32 $0x108;
	s8 =	sld [smem:$0x3FB4]  }
0x2e: {  	s3 =	simm.s32 @!p0 $0x1082;
	s9 =	sld [smem:$0x3FB5]  }
0x2f: {  	lr =	sadd.s32 s0, s3;
	s0 =	sld [smem:$0x3FAC]  }
0x30: {  	s3 =	sld [smem:$0x3FAF]  }
0x31: {  	[smem:$0x3FB8] =	sst s10  }
0x32: {  	s10 =	sld [smem:$0x3FB6];
	_ =	sdelay $0x3  }
0x33: {  	p0 =	seq.s32 s10, $0x1;
	s10 =	sld [smem:$0x3FB8];
	_ =	sdelay $0x3  }
0x34: {  	[smem:$0x3FB8] =	sst s10  }
0x35: {  	s10 =	sld [smem:$0x3FB7];
	_ =	sdelay $0x3  }
0x36: {  	p1 =	seq.s32 s10, $0x1;
	s10 =	sld [smem:$0x3FB8];
	_ =	sdelay $0x3  }
0x37: {  	[smem:$0x3FB8] =	sst s10  }
0x38: {  	s10 =	sld [smem:$0x3FB9]  }
0x39: {  	_ = 	snop;
	(pc) =	sbr.ind lr, $3  }
0x3a: {  	_ = 	snop  }
0x3b: {  	_ = 	snop  }
0x3c: {  	p2 =	seq.s32 s10, $0x1;
	s10 =	sld [smem:$0x3FB8]  }
0x3d: {  	_ =	shalt  }
0x3e: {  	_ =	shalt  }
0x3f: {  	_ =	shalt  }
0x40: {  	_ =	shalt  }
0x41: {  	_ =	shalt  }
0x42: {  	_ =	shalt  }
0x43: {  	_ =	shalt  }
0x44: {  	_ =	shalt  }
0x45: {  	_ =	shalt  }
0x46: {  	_ =	shalt  }
0x47: {  	_ =	shalt  }
0x48: {  	_ =	shalt  }
0x49: {  	_ =	shalt  }
0x4a: {  	_ =	shalt  }
0x4b: {  	_ =	shalt  }
0x4c: {  	_ =	shalt  }
0x4d: {  	_ =	shalt  }
0x4e: {  	_ =	shalt  }
0x4f: {  	_ =	shalt  }
0x50: {  	_ =	shalt  }
0x51: {  	_ =	shalt  }
0x52: {  	_ =	shalt  }
0x53: {  	_ =	shalt  }
0x54: {  	_ =	shalt  }
0x55: {  	_ =	shalt  }
0x56: {  	_ =	shalt  }
0x57: {  	_ =	shalt  }
0x58: {  	_ =	shalt  }
0x59: {  	_ =	shalt  }
0x5a: {  	_ =	shalt  }
0x5b: {  	_ =	shalt  }
0x5c: {  	_ =	shalt  }
0x5d: {  	_ =	shalt  }
0x5e: {  	_ =	shalt  }
0x5f: {  	_ =	shalt  }
0x60: {  	_ =	shalt  }
0x61: {  	_ =	shalt  }
0x62: {  	_ =	shalt  }
0x63: {  	_ =	shalt  }
0x64: {  	_ =	shalt  }
0x65: {  	_ =	shalt  }
0x66: {  	_ =	shalt  }
0x67: {  	_ =	shalt  }
0x68: {  	_ =	shalt  }
0x69: {  	_ =	shalt  }
0x6a: {  	_ =	shalt  }
0x6b: {  	_ =	shalt  }
0x6c: {  	_ =	shalt  }
0x6d: {  	_ =	shalt  }
0x6e: {  	_ =	shalt  }
0x6f: {  	_ =	shalt  }
0x70: {  	_ =	shalt  }
0x71: {  	_ =	shalt  }
0x72: {  	_ =	shalt  }
0x73: {  	_ =	shalt  }
0x74: {  	_ =	shalt  }
0x75: {  	_ =	shalt  }
0x76: {  	_ =	shalt  }
0x77: {  	_ =	shalt  }
0x78: {  	_ =	shalt  }
0x79: {  	_ =	shalt  }
0x7a: {  	_ =	shalt  }
0x7b: {  	_ =	shalt  }
0x7c: {  	_ =	shalt  }
0x7d: {  	_ =	shalt  }
0x7e: {  	_ =	shalt  }
0x7f: {  	_ =	shalt  }
0x80: {  	_ =	shalt  }
0x81: {  	_ =	shalt  }
0x82: {  	_ =	shalt  }
0x83: {  	_ =	shalt  }
0x84: {  	_ =	shalt  }
0x85: {  	_ =	shalt  }
0x86: {  	_ =	shalt  }
0x87: {  	_ =	shalt  }
.Lfunc_end0:
.L_simem_size_0:
called_computation_lowered:
.L_overlay_start_0:
0x88: {  	s2 =	sld [smem:$0x3FD9]  }
0x89: {  	s3 =	sld [smem:$0x3FFE];
	_ =	sdelay $0x1  }
0x8a: {  	s1 =	srdreg.scid  }
0x8b: {  	s0 =	sand.u32 $0x1, s1  }
0x8c: {  	s17 =	sshll.u32 s0, $0xA;
	s2 =	sadd.s32 s3, s2  }
0x8d: {  	s2 =	sadd.s32 s2, s17  }
0x8e: {  	[smem:$0x3FC4] =	sst s2  }
0x8f: {  	_ = 	snop  }
0x90: {  	s2 =	sld [smem:$0x3FD0];
	(tm) =	ssettm $0x1  }
0x91: {  	s18 =	sld [smem:$0x3FFB];
	_ =	sdelay $0x3  }
0x92: {  	_ =	strace s18  }
0x93: {  	s3 =	sld [smem:$0x3FFC];
	_ =	sdelay $0x3  }
0x94: {  	_ =	strace s3  }
0x95: {  	s3 =	sld [smem:$0x3FFD];
	_ =	sdelay $0x3  }
0x96: {  	_ =	strace s3  }
0x97: {  	_ =	strace $0x8FFFFFFF  }
0x98: {  	s19 =	sld [smem:$0x3FDB];
	_ =	sdelay $0x1  }
0x99: {  	s4 =	simm.s32 $_scs_section_size  }
0x9a: {  	s5 =	simm.s32 $_size__tile_overlayer_lowered;
	s6 =	simm.s32 $_tile_overlayer_lowered  }
0x9b: {  	s22 =	simm.s32 $0x1BFF;
	s21 =	sshll.u32 s6, $0x1;
	s3 =	sadd.s32 s4, s19  }
0x9c: {  	s7 =	simm.s32 $0x0;
	s20 =	sshll.u32 s5, $0x1;
	s5 =	sadd.s32 s21, s3  }
0x9d: {  	[timem:s7], [sflag:s22] =	dma.local [hbm:s5], s20  }
0x9e: {  	_ =	swait.ge [sflag:s22], s20  }
0x9f: {  	s4 =	ssub.s32 $0x0, s20;
	[sflag:s22] =	ssyncset.done $0x0  }
0xa0: {  	[sflag:s22] =	ssyncadd.s32 s4;
	_ =	sdelay $0x1  }
0xa1: {  	s23 =	simm.s32 $0x1B8B  }
0xa2: {  	_ =	swait.ge [sflag:s23], $0x1  }
0xa3: {  	[sflag:s23] =	ssyncset.done $0x0  }
0xa4: {  	s25 =	simm.s32 $0x1B8E;
	s24 =	sld [smem:$0x3FFE];
	[sflag:s23] =	ssyncadd.s32 $0xFFFFFFFF  }
0xa5: {  	s26 =	simm.s32 $execute0_lowered;
	[smem:$0x3FD2] =	sst s25  }
0xa6: {  	s5 =	sshll.u32 s26, $0x1;
	_ =	strace $0x80000046;
	[dreg:$0x1] =	wrdreg $0xFFFFFFFF  }
0xa7: {  	s28 =	simm.s32 $_size_execute0_lowered;
	s3 =	sadd.s32 s3, s5;
	[dreg:$0x0] =	wrdreg $0x0  }
0xa8: {  	s5 =	sshll.u32 s28, $0x1;
	[dreg:$0x2] =	wrdreg s3  }
0xa9: {  	[dreg:$0x3] =	wrdreg s5  }
0xaa: {  	[dreg:$0x4] =	wrdreg $0xC0  }
0xab: {  	_ =	task [dreg:s7], $0x5FFFF  }
0xac: {  	[dreg:$0x1] =	wrdreg $0xFFFFFFFF  }
0xad: {  	[dreg:$0x0] =	wrdreg $0x60  }
0xae: {  	[dreg:$0x2] =	wrdreg s2  }
0xaf: {  	[dreg:$0x3] =	wrdreg s24  }
0xb0: {  	[dreg:$0x4] =	wrdreg $0x29800  }
0xb1: {  	[dreg:$0x5] =	wrdreg $0x162000  }
0xb2: {  	[dreg:$0x6] =	wrdreg $0x9  }
0xb3: {  	_ =	task.clear_ibuf [dreg:s7], $0x7FFFF;
	_ =	strace $0x90000046  }
0xb4: {  	s29 =	simm.s32 $0x9;
	_ =	strace $0x80000048  }
0xb5: {  	_ =	swait.ge [sflag:s29], $0x1  }
0xb6: {  	[sflag:s29] =	ssyncadd.s32 $0xFFFFFFFF  }
0xb7: {  	_ =	strace $0x90000048  }
0xb8: {  	_ =	sfence  }
0xb9: {  	s30 =	sld [smem:$0x0];
	_ =	sdelay $0x2  }
0xba: {  	s31 =	sshll.u32 s1, $0xD;
	s1 =	sshrl.u32 s1, $0x2  }
0xbb: {  	s3 =	sand.u32 $0x4000, s31;
	s1 =	sadd.s32 s1, s30  }
0xbc: {  	s0 =	sor.u32 s3, s0;
	s1 =	sshll.u32 s1, $0x11  }
0xbd: {  	s0 =	sor.u32 s1, s0  }
0xbe: {  	s0 =	sadd.s32 $0x8F2B, s0  }
0xbf: {  	[sflag:s0] =	ssyncadd.remote.s32 $0x1  }
0xc0: {  	_ =	sfence.sel $0xFFFF  }
0xc1: {  	[dreg:$0x0] =	wrdreg $0xFFFFFFFF;
	(pc) =	sbr.abs _section_cstart, $3  }
0xc2: {  	[dreg:$0x1] =	wrdreg $0xFFFFFFFF  }
0xc3: {  	_ =	task.clear_ibuf [dreg:s7], $0x2FFFF;
	_ =	strace $0x9FFFFFFF  }
0xc4: {  	(tm) =	ssettm $0x7FFFFFFF  }
0xc5: {  	_ =	shalt  }
tec
execute0_lowered:
.L_overlay_start_1:
0x0: {  	(tag) =	ssettag $0x1  }
0x1: {  	s0 =	rddreg [dreg:$0x0]  }
0x2: {  	s8 =	rddreg [dreg:$0x1];
	s2 =	srdreg.scid  }
0x3: {  	s1 =	rddreg [dreg:$0x2];
	s15 =	stileid.u32  }
0x4: {  	s3 =	rddreg [dreg:$0x3];
	s4 =	simm.s32 $0x0;
	s20 =	simm.s32 $0x50  }
0x5: {  	s21 =	simm.s32 $0x100;
	s22 =	simm.s32 $0x1;
	s23 =	simm.s32 $0x2900  }
0x6: {  	s6 =	sand.u32 $0x1, s2;
	s7 =	smul.u32 $0x2710, s15;
	s2 =	rddreg [dreg:$0x4]  }
0x7: {  	s24 =	simm.s32 $0x0;
	s9 =	smul.u32 $0x13800, s15;
	[smem:$0x7FF] =	sst s4  }
0x8: {  	s12 =	smul.u32 $0x4E000, s15;
	s13 =	sadd.s32 $0x3D400, s8;
	s30 =	sshll.u32 s15, $0x6  }
0x9: {  	s19 =	sadd.s32 $0x138000, s1;
	p0 =	sne.s32 s15, $0x0;
	s5 =	smul.u32 $0x27100, s6  }
0xa: {  	_ =	strace $0x80000047;
	s10 =	smul.u32 $0x4F0, s6;
	s11 =	ssub.s32 $0x2, s6  }
0xb: {  	s29 =	smul.u32 $0x138800, s6;
	s25 =	sshrl.u32 s9, $0x3;
	s26 =	sshrl.u32 s11, $0x1  }
0xc: {  	s28 =	sshrl.u32 s12, $0x2;
	s5 =	sadd.s32 s7, s5;
	s7 =	sadd.s32 s25, s8  }
0xd: {  	s16 =	sadd.s32 s10, s8;
	s17 =	ssub.s32 s11, s26;
	s18 =	sadd.s32 s28, s1  }
0xe: {  	s9 =	sadd.s32 s9, s29;
	s31 =	sshrl.u32 s29, $0x3;
	s5 =	sshrl.u32 s5, $0x3  }
0xf: {  	s6 =	sadd.s32 $0x15800, s7;
	s7 =	sor.u32 $0x1C02, s30;
	s9 =	sshrl.u32 s9, $0x3  }
0x10: {  	s10 =	sadd.s32 s13, s31;
	s11 =	sadd.s32 $0x3CA00, s16;
	s12 =	smax.u32 s17, $0x1  }
0x11: {  	s15 =	sshrl.u32 s18, $0x3;
	s16 =	simm.s32 $0x2;
	s17 =	sshrl.u32 @!p0 s19, $0x3  }
0x12: {  	s18 =	sshrl.u32 @!p0 s3, $0x3;
	s19 =	simm.s32 $0x80;
	s14 =	sadd.s32 s5, s8  }
0x13: {  	s5 =	sadd.s32 $0x15200, s8;
	s8 =	sadd.s32 $0x3C800, s8;
	s9 =	sadd.s32 s13, s9  }
0x14: {  	v0 =	vimm.f32 $1.000000000e+00;
	s10 =	sadd.s32 $0x27000, s10;
	s13 =	sadd.s32 $0x1600, s14;
	s14 =	sadd.s32 $0xB400, s14  }
.LBB2_1:
0x15: {  	[tilespmem:$0x2900] =	vst v0  }
0x16: {  	[tilespmem:$0x2910] =	vst v0  }
0x17: {  	[tilespmem:$0x2920] =	vst v0  }
0x18: {  	[tilespmem:$0x2930] =	vst v0  }
0x19: {  	[tilespmem:$0x2940] =	vst v0  }
0x1a: {  	[spmem:s15], [sflag:s7] =	dma.local [hbm:s6], $0x2700  }
0x1b: {  	_ =	swait.ge [sflag:s16], $0x2700  }
0x1c: {  	[sflag:s16] =	ssyncset.done $0x0  }
0x1d: {  	s25 =	simm.s32 @!p0 $0x2;
	[sflag:s16] =	ssyncadd.s32 $0xFFFFD900  }
0x1e: {  	[spmem:s17], [sflag:s7] =	dma.local @!p0 [hbm:s8], $0x100  }
0x1f: {  	_ =	swait.ge @!p0 [sflag:s25], $0x100  }
0x20: {  	[sflag:s25] =	ssyncset.done @!p0 $0x0  }
0x21: {  	[sflag:s25] =	ssyncadd.s32 @!p0 $0xFFFFFF00  }
0x22: {  	[spmem:s18], [sflag:s7] =	dma.local @!p0 [hbm:s5], $0x4F0  }
0x23: {  	_ =	swait.ge @!p0 [sflag:s25], $0x4F0  }
0x24: {  	[sflag:s25] =	ssyncset.done @!p0 $0x0  }
0x25: {  	[sflag:s25] =	ssyncadd.s32 @!p0 $0xFFFFFB10  }
0x26: {  	s30 =	sadd.s32 $0x0, s14;
	[bflag:$0x0] =	sbarrier.arrive $0xFFFF  }
0x27: {  	[tilespmem:s4], [sflag:$0x2] =	stream.linear.gather [hbm4b:s30+s4], $0x50, $0x38;
	[tilespmem:$0x16478] =	vst v63  }
0x28: {  	_ =	swait.ge [sflag:s16], $0x50  }
0x29: {  	[sflag:s16] =	ssyncset.done $0x0  }
0x2a: {  	s31 =	sadd.s32 $0x0, s13;
	[sflag:s16] =	ssyncadd.s32 $0xFFFFFFB0  }
0x2b: {  	[tilespmem:s19], [sflag:$0x2] =	stream.linear.gather [hbm4b:s31+s4], $0x50, $0x38;
	[tilespmem:$0x16478] =	vst v63  }
0x2c: {  	_ =	swait.ge [sflag:s16], $0x50  }
0x2d: {  	[sflag:s16] =	ssyncset.done $0x0  }
0x2e: {  	[sflag:s16] =	ssyncadd.s32 $0xFFFFFFB0  }
0x2f: {  	[tilespmem:s21], [sflag:$0x1] =	stream.indirect.gather [hbm4b:s0+s20], $0x80, s4, s20, $0xb8;
	[tilespmem:$0x16478] =	vst v63  }
0x30: {  	_ =	swait.ge [sflag:s22], $0x2800  }
0x31: {  	[sflag:s22] =	ssyncset.done $0x0  }
0x32: {  	[sflag:s22] =	ssyncadd.s32 $0xFFFFD800  }
0x33: {  	[spmem:s1] =	stream.indirect.scatter.add.f32 [tilespmem:s21], [sflag:$0x2], $0x80, s19, s20, $0xb8;
	[tilespmem:$0x16478] =	vst v63  }
0x34: {  	_ =	swait.ge [sflag:s16], $0x2800  }
0x35: {  	[sflag:s16] =	ssyncset.done $0x0  }
0x36: {  	[sflag:s16] =	ssyncadd.s32 $0xFFFFD800  }
0x37: {  	[spmem:s3] =	stream.indirect.scatter.add.f32 [tilespmem:s23], [sflag:$0x2], $0x1, s19, s20, $0xb8;
	[tilespmem:$0x16478] =	vst v63  }
0x38: {  	_ =	swait.ge [sflag:s16], $0x50  }
0x39: {  	s26 =	simm.s32 $0x14;
	s25 =	simm.s32 $0xA;
	[sflag:s16] =	ssyncset.done $0x0  }
.LBB2_2:
0x3a: {  	s28 =	sadd.s32 s25, s14  }
0x3b: {  	[sflag:s16] =	ssyncadd.s32 $0xFFFFFFB0;
	s29 =	smov.u32 s26;
	s30 =	sadd.s32 $0xA, s26  }
0x3c: {  	[tilespmem:s4], [sflag:$0x2] =	stream.linear.gather [hbm4b:s28+s4], $0x50, $0x38;
	[tilespmem:$0x16478] =	vst v63  }
0x3d: {  	p1 =	sne.s32 s26, $0x4D8;
	_ =	swait.ge [sflag:s16], $0x50  }
0x3e: {  	[sflag:s16] =	ssyncset.done $0x0  }
0x3f: {  	s26 =	sadd.s32 s25, s13;
	s25 =	smov.u32 s29;
	[sflag:s16] =	ssyncadd.s32 $0xFFFFFFB0  }
0x40: {  	[tilespmem:s19], [sflag:$0x2] =	stream.linear.gather [hbm4b:s26+s4], $0x50, $0x38;
	[tilespmem:$0x16478] =	vst v63  }
0x41: {  	_ =	swait.ge [sflag:s16], $0x50  }
0x42: {  	[sflag:s16] =	ssyncset.done $0x0  }
0x43: {  	[sflag:s16] =	ssyncadd.s32 $0xFFFFFFB0  }
0x44: {  	[tilespmem:s21], [sflag:$0x1] =	stream.indirect.gather [hbm4b:s0+s20], $0x80, s4, s20, $0xb8;
	[tilespmem:$0x16478] =	vst v63  }
0x45: {  	_ =	swait.ge [sflag:s22], $0x2800  }
0x46: {  	[sflag:s22] =	ssyncset.done $0x0  }
0x47: {  	[sflag:s22] =	ssyncadd.s32 $0xFFFFD800  }
0x48: {  	[spmem:s1] =	stream.indirect.scatter.add.f32 [tilespmem:s21], [sflag:$0x2], $0x80, s19, s20, $0xb8;
	[tilespmem:$0x16478] =	vst v63  }
0x49: {  	_ =	swait.ge [sflag:s16], $0x2800  }
.Ltmp0:
0x4a: {  	[sflag:s16] =	ssyncset.done $0x0;
	(pc) =	sbr.rel @p1 .LBB2_2-.Ltmp0, $4  }
0x4b: {  	[sflag:s16] =	ssyncadd.s32 $0xFFFFD800  }
0x4c: {  	[spmem:s3] =	stream.indirect.scatter.add.f32 [tilespmem:s23], [sflag:$0x2], $0x1, s19, s20, $0xb8;
	[tilespmem:$0x16478] =	vst v63  }
0x4d: {  	_ =	swait.ge [sflag:s16], $0x50  }
0x4e: {  	s26 =	smov.u32 s30;
	[sflag:s16] =	ssyncset.done $0x0  }
0x4f: {  	s26 =	sadd.s32 s25, s14;
	[sflag:s16] =	ssyncadd.s32 $0xFFFFFFB0  }
0x50: {  	[tilespmem:s4], [sflag:$0x2] =	stream.linear.gather [hbm4b:s26+s4], $0x50, $0x38;
	[tilespmem:$0x16478] =	vst v63  }
0x51: {  	_ =	swait.ge [sflag:s16], $0x50  }
0x52: {  	[sflag:s16] =	ssyncset.done $0x0  }
0x53: {  	s31 =	sadd.s32 s25, s13;
	[sflag:s16] =	ssyncadd.s32 $0xFFFFFFB0  }
0x54: {  	[tilespmem:s19], [sflag:$0x2] =	stream.linear.gather [hbm4b:s31+s4], $0x50, $0x38;
	[tilespmem:$0x16478] =	vst v63  }
0x55: {  	_ =	swait.ge [sflag:s16], $0x50  }
0x56: {  	[sflag:s16] =	ssyncset.done $0x0  }
0x57: {  	[sflag:s16] =	ssyncadd.s32 $0xFFFFFFB0  }
0x58: {  	[tilespmem:s21], [sflag:$0x1] =	stream.indirect.gather [hbm4b:s0+s20], $0x80, s4, s20, $0xb8;
	[tilespmem:$0x16478] =	vst v63  }
0x59: {  	_ =	swait.ge [sflag:s22], $0x2800  }
0x5a: {  	[sflag:s22] =	ssyncset.done $0x0  }
0x5b: {  	[sflag:s22] =	ssyncadd.s32 $0xFFFFD800  }
0x5c: {  	[spmem:s1] =	stream.indirect.scatter.add.f32 [tilespmem:s21], [sflag:$0x2], $0x80, s19, s20, $0xb8;
	[tilespmem:$0x16478] =	vst v63  }
0x5d: {  	_ =	swait.ge [sflag:s16], $0x2800  }
0x5e: {  	[sflag:s16] =	ssyncset.done $0x0  }
0x5f: {  	[sflag:s16] =	ssyncadd.s32 $0xFFFFD800  }
0x60: {  	[spmem:s3] =	stream.indirect.scatter.add.f32 [tilespmem:s23], [sflag:$0x2], $0x1, s19, s20, $0xb8;
	[tilespmem:$0x16478] =	vst v63  }
0x61: {  	_ =	swait.ge [sflag:s16], $0x50  }
0x62: {  	[sflag:s16] =	ssyncset.done $0x0  }
0x63: {  	[sflag:s16] =	ssyncadd.s32 $0xFFFFFFB0  }
0x64: {  	[bflag:$0x0] =	sbarrier.arrive $0xFFFF  }
0x65: {  	[hbm:s9], [sflag:s7] =	dma.local [spmem:s15], $0x2700  }
0x66: {  	_ =	swait.ge [sflag:s16], $0x2700  }
0x67: {  	[sflag:s16] =	ssyncset.done $0x0  }
0x68: {  	s25 =	simm.s32 @!p0 $0x2;
	[sflag:s16] =	ssyncadd.s32 $0xFFFFD900  }
0x69: {  	[hbm:s10], [sflag:s7] =	dma.local @!p0 [spmem:s17], $0x100  }
0x6a: {  	s24 =	sadd.s32 $0x1, s24;
	_ =	swait.ge @!p0 [sflag:s25], $0x100  }
0x6b: {  	p1 =	sne.s32 s24, s12;
	[sflag:s25] =	ssyncset.done @!p0 $0x0  }
.Ltmp1:
0x6c: {  	[sflag:s25] =	ssyncadd.s32 @!p0 $0xFFFFFF00;
	(pc) =	sbr.rel @p1 .LBB2_1-.Ltmp1, $4  }
0x6d: {  	[hbm:s11], [sflag:s7] =	dma.local @!p0 [spmem:s18], $0x4F0  }
0x6e: {  	_ =	swait.ge @!p0 [sflag:s25], $0x4F0  }
0x6f: {  	[sflag:s25] =	ssyncset.done @!p0 $0x0  }
0x70: {  	[sflag:s25] =	ssyncadd.s32 @!p0 $0xFFFFFB10  }
0x71: {  	_ =	sfence.sel $0x180000  }
0x72: {  	[bflag:$0x0] =	sbarrier.arrive $0xFFFF  }
0x73: {  	_ =	strace $0x90000047  }
0x74: {  	s0 =	sadd.s32 @!p0 $0x100000, s2;
	[bflag:$0x2] =	sbarrier.arrive $0xFFFF  }
0x75: {  	[sflag:s0] =	ssyncadd.tile.s32 @!p0 $0x1;
	_ =	shalt  }
.Lfunc_end2:
_tile_overlayer_lowered:
.L_overlay_start_2:
0x76: {  	(tag) =	ssettag $0x2  }
0x77: {  	s0 =	rddreg [dreg:$0x0];
	s2 =	stileid.u32  }
0x78: {  	s1 =	rddreg [dreg:$0x1];
	p0 =	sne.s32 s2, $0x0  }
0x79: {  	s3 =	rddreg [dreg:$0x2];
	[bflag:$0x3] =	sbarrier.arrive $0xFFFF;
	s2 =	simm.s32 @!p0 $0x1C02  }
0x7a: {  	[timem:s3], [sflag:s2] =	dma.local @!p0 [hbm:s0], s1  }
0x7b: {  	s0 =	simm.s32 @!p0 $0x2  }
0x7c: {  	_ =	swait.ge @!p0 [sflag:s0], s1  }
0x7d: {  	s1 =	ssub.s32 @!p0 $0x0, s1;
	[sflag:s0] =	ssyncset.done @!p0 $0x0  }
0x7e: {  	[sflag:s0] =	ssyncadd.s32 @!p0 s1  }
0x7f: {  	[bflag:$0x3] =	sbarrier.arrive $0xFFFF  }
0x80: {  	_ =	shalt  }

</sc_bundles>
